<compile_context>
chip_gen: v7x
topology: tpu7x:2x2x1
jax: 0.10.2.dev20260603
libtpu: 0.0.44.dev20260713+nightly
codegen_flags: <defaults>
</compile_context>

<pallas_src>
import functools

import jax
import jax.numpy as jnp
from jax import lax
from jax.experimental import pallas as pl
from jax.experimental.pallas import tpu as pltpu
from jax.experimental.pallas import tpu_sc as plsc

RES = (512, 264, 16)
NLVL = 3
NC, NS, L = 2, 16, 16
NW = NC * NS
B = 2048
ROWS_PER_DMA = 512
NDMA = B // ROWS_PER_DMA

H = (131584, 35072, 144)
_BQ = (2056, 2192)


def _pair_table_small(emb, r):
    s = (r + 1) * (r + 1)
    h = (4 * s) // 8
    flat = emb.reshape(-1)
    return jnp.concatenate(
        [flat[: 8 * h].reshape(h, 8), flat[4 : 4 + 8 * h].reshape(h, 8)], axis=0)


def _table_body(a_ref, b_ref, o_ref):
    a = a_ref[...]

    @pl.when(pl.program_id(0) == 0)
    def _():
        o_ref[...] = a

    @pl.when(pl.program_id(0) == 1)
    def _():
        b = b_ref[...]
        a1 = jnp.concatenate([a[1:], b[:1]], axis=0)
        o_ref[...] = jnp.concatenate([a[:, 4:], a1[:, :4]], axis=1)


def _pair_table_big(emb, h, bq):
    flat = emb.reshape(-1)
    fv = flat.shape[0] // 128
    wide = flat[: fv * 128].reshape(fv, 128)
    qh = h // 16
    nq = qh // bq
    out = pl.pallas_call(
        _table_body,
        grid=(2, nq),
        in_specs=[
            pl.BlockSpec((bq, 128), lambda h2, q: (q, 0)),
            pl.BlockSpec((bq, 128), lambda h2, q: (q + 1, 0)),
        ],
        out_specs=pl.BlockSpec((bq, 128), lambda h2, q: (h2 * (h // 16 // bq) + q, 0)),
        out_shape=jax.ShapeDtypeStruct((2 * qh, 128), jnp.float32),
    )(wide, wide)
    return out.reshape(2 * h, 8)


def _sc_gather(xflat, n, lo, npts, t0, t1, t2):
    pts_per_w = npts // NW
    nchunk = pts_per_w // B

    mesh = plsc.VectorSubcoreMesh(
        core_axis_name="c", subcore_axis_name="s", num_cores=NC, num_subcores=NS
    )
    scratch = (
        [pltpu.VMEM((B,), jnp.float32),
         pltpu.VMEM((B,), jnp.float32)]
        + [pltpu.VMEM((B,), jnp.int32) for _ in range(2 * NLVL)]
        + [pltpu.VMEM((B, 8), jnp.float32) for _ in range(2 * NLVL)]
        + [pltpu.SemaphoreType.DMA for _ in range(2 * NLVL)]
    )

    @functools.partial(
        pl.kernel,
        out_type=tuple(jax.ShapeDtypeStruct((npts, 8), jnp.float32)
                       for _ in range(2 * NLVL)),
        mesh=mesh,
        scratch_types=scratch,
        compiler_params=pltpu.CompilerParams(use_tc_tiling_on_sc=False),
    )
    def k(x_hbm, t0_hbm, t1_hbm, t2_hbm, o0u, o0d, o1u, o1d, o2u, o2d,
          u_ref, v_ref, i0u, i0d, i1u, i1d, i2u, i2d,
          r0u, r0d, r1u, r1d, r2u, r2d, s0u, s0d, s1u, s1d, s2u, s2d):
        t_hbm = (t0_hbm, t0_hbm, t1_hbm, t1_hbm, t2_hbm, t2_hbm)
        out_hbm = (o0u, o0d, o1u, o1d, o2u, o2d)
        idx_refs = (i0u, i0d, i1u, i1d, i2u, i2d)
        row_refs = (r0u, r0d, r1u, r1d, r2u, r2d)
        sems = (s0u, s0d, s1u, s1d, s2u, s2d)
        wid = lax.axis_index("s") * NC + lax.axis_index("c")
        groups = B // L

        def chunk_body(ci, carry):
            base = wid * pts_per_w + ci * B
            pltpu.sync_copy(x_hbm.at[pl.ds(n + lo + base, B)], u_ref)
            pltpu.sync_copy(x_hbm.at[pl.ds(2 * n + lo + base, B)], v_ref)

            def idx_body(j, c):
                sl = pl.ds(j * L, L)
                u = u_ref[sl]
                v = v_ref[sl]
                for lvl, r in enumerate(RES):
                    x0 = (u * r).astype(jnp.int32)
                    y0 = (v * r).astype(jnp.int32)
                    p = y0 * r + x0
                    up = (p >> 1) + (p & 1) * H[lvl]
                    idx_refs[2 * lvl][sl] = up
                    idx_refs[2 * lvl + 1][sl] = up + (r // 2)
                return c

            lax.fori_loop(0, groups, idx_body, 0)

            dmas = []
            for st in range(2 * NLVL):
                for g in range(NDMA):
                    dmas.append(pltpu.async_copy(
                        t_hbm[st].at[idx_refs[st].at[pl.ds(g * ROWS_PER_DMA, ROWS_PER_DMA)]],
                        row_refs[st].at[pl.ds(g * ROWS_PER_DMA, ROWS_PER_DMA)],
                        sems[st],
                    ))
            for st in range(2 * NLVL):
                for g in range(NDMA):
                    dmas[st * NDMA + g].wait()
                pltpu.sync_copy(row_refs[st], out_hbm[st].at[pl.ds(base, B), :])
            return carry

        lax.fori_loop(0, nchunk, chunk_body, 0)

    return k(xflat, t0, t1, t2)


def _tc_body(u0, d0, u1, d1, u2, d2, u8, v8, i8, eb, g0, g1, g2, gi,
             b0t, w1t, b1r, w2t, b2r, out_ref):
    e = eb[...]
    u64 = jnp.dot(u8[...], e, preferred_element_type=jnp.float32)
    v64 = jnp.dot(v8[...], e, preferred_element_type=jnp.float32)
    cf = jax.lax.broadcasted_iota(jnp.int32, (1, 64), 1) % 8
    is_x1 = cf >= 4
    acc = jnp.dot(i8[...], gi[...], preferred_element_type=jnp.float32)
    ups = (u0, u1, u2)
    dns = (d0, d1, d2)
    gs = (g0, g1, g2)
    for lvl, r in enumerate(RES):
        fx = u64 * r
        wx = fx - jnp.floor(fx)
        fy = v64 * r
        wy = fy - jnp.floor(fy)
        wxs = jnp.where(is_x1, wx, 1.0 - wx)
        t = wxs * (ups[lvl][...] * (1.0 - wy) + dns[lvl][...] * wy)
        acc = acc + jnp.dot(t, gs[lvl][...], preferred_element_type=jnp.float32)
    h1 = jnp.maximum(acc + b0t[...], 0.0)
    outs = []
    for j in range(8):
        hj = h1[:, 64 * j:64 * j + 64]
        h2 = jnp.maximum(
            jnp.dot(hj, w1t[...], preferred_element_type=jnp.float32) + b1r[...], 0.0)
        outs.append(
            jnp.dot(h2, w2t[...], preferred_element_type=jnp.float32) + b2r[...])
    out_ref[...] = jnp.concatenate(outs, axis=1)


def _tc_mlp(c, u8, v8, i8, off, mh, W0, b0, W1, b1, W2, b2):
    mb = 1024
    grid = (mh // mb,)
    eye8 = jnp.eye(8, dtype=jnp.float32)
    eb = jnp.kron(eye8, jnp.ones((1, 8), jnp.float32))
    gi = jnp.kron(eye8, W0[:, 0:1].T)
    gs = []
    for lvl in range(NLVL):
        e8 = jnp.tile(W0[:, 1 + 4 * lvl:5 + 4 * lvl].T, (2, 1))
        gs.append(jnp.kron(eye8, e8))
    b0t = jnp.tile(b0, 8)[None, :]
    row = lambda i: (i, 0)
    rowo = lambda i: (i + off, 0)
    full = lambda i: (0, 0)
    out_dim = W2.shape[0]
    return pl.pallas_call(
        _tc_body,
        grid=grid,
        in_specs=[
            pl.BlockSpec((mb, 64), rowo),
            pl.BlockSpec((mb, 64), rowo),
            pl.BlockSpec((mb, 64), rowo),
            pl.BlockSpec((mb, 64), rowo),
            pl.BlockSpec((mb, 64), rowo),
            pl.BlockSpec((mb, 64), rowo),
            pl.BlockSpec((mb, 8), rowo),
            pl.BlockSpec((mb, 8), rowo),
            pl.BlockSpec((mb, 8), rowo),
            pl.BlockSpec((8, 64), full),
            pl.BlockSpec((64, 512), full),
            pl.BlockSpec((64, 512), full),
            pl.BlockSpec((64, 512), full),
            pl.BlockSpec((8, 512), full),
            pl.BlockSpec((1, 512), full),
            pl.BlockSpec((64, 64), full),
            pl.BlockSpec((1, 64), full),
            pl.BlockSpec((64, out_dim), full),
            pl.BlockSpec((1, out_dim), full),
        ],
        out_specs=pl.BlockSpec((mb, 8 * out_dim), row),
        out_shape=jax.ShapeDtypeStruct((mh, 8 * out_dim), jnp.float32),
    )(*c, u8, v8, i8, eb, gs[0], gs[1], gs[2], gi, b0t,
      W1.T, b1[None, :], W2.T, b2[None, :])


def kernel(x, emb0, emb1, emb2, W0, b0, W1, b1, W2, b2):
    n = x.shape[0]
    nh = n // 2
    xT = x.T
    xflat = xT.reshape(-1)
    tables = [
        _pair_table_big(emb0, H[0], _BQ[0]),
        _pair_table_big(emb1, H[1], _BQ[1]),
        _pair_table_small(emb2, RES[2]),
    ]
    c = _sc_gather(xflat, n, 0, n, *tables)
    m = n // 8
    u8 = xT[1].reshape(m, 8)
    v8 = xT[2].reshape(m, 8)
    i8 = xT[0].reshape(m, 8)
    packed = [a.reshape(m, 64) for a in c]
    out = _tc_mlp(packed, u8, v8, i8, 0, m, W0, b0, W1, b1, W2, b2)
    return out.reshape(n, W2.shape[0])

# --- scband reference (transcript-rebuilt; emitter-appended) ---
"""Pipeline reference for scband-dense-grid-net-46677704572931 (READ-ONLY COPY).

The authoritative reference and input builder live on the scoring server;
editing this copy changes nothing except your own understanding.
"""

import jax, jax.numpy as jnp
import numpy as np

RES = [512, 264, 16]  # torch.linspace(512,16,3).int()
FEAT = 4
N = 524288


def setup_inputs(seed: int = 0) -> dict:
    key = jax.random.key(seed)
    ks = jax.random.split(key, 12)
    inp = {}
    inp["x"] = jax.random.uniform(ks[0], (N, 3), dtype=jnp.float32)
    for lvl, r in enumerate(RES):
        size = (r + 1) * (r + 1)
        inp[f"emb{lvl}"] = jax.random.uniform(ks[1 + lvl], (size, FEAT), minval=-1e-4, maxval=1e-4, dtype=jnp.float32)
    dims = [13, 64, 64, 3]  # embed_dim = 1 + 4*3 = 13
    for i in range(3):
        bound = 1.0 / np.sqrt(dims[i])
        inp[f"W{i}"] = jax.random.uniform(ks[4 + 2 * i], (dims[i + 1], dims[i]), minval=-bound, maxval=bound, dtype=jnp.float32)
        inp[f"b{i}"] = jax.random.uniform(ks[5 + 2 * i], (dims[i + 1],), minval=-bound, maxval=bound, dtype=jnp.float32)
    return inp


def _grid_features(uv, embs):
    feats = []
    for lvl, r in enumerate(RES):
        x0 = (uv[:, 0] * r).astype(jnp.int32)
        x1 = jnp.minimum(x0 + 1, r)
        y0 = (uv[:, 1] * r).astype(jnp.int32)
        y1 = jnp.minimum(y0 + 1, r)
        wx = (uv[:, 0] * r - x0.astype(jnp.float32))[:, None]
        wy = (uv[:, 1] * r - y0.astype(jnp.float32))[:, None]
        emb = embs[lvl]
        # get_embedding_idx uses stride = resolution_x[level] (NOT res+1), faithful to torch code
        v00 = jnp.take(emb, y0 * r + x0, axis=0)
        v10 = jnp.take(emb, y0 * r + x1, axis=0)
        v01 = jnp.take(emb, y1 * r + x0, axis=0)
        v11 = jnp.take(emb, y1 * r + x1, axis=0)
        fup = v00 * (1 - wx) + v10 * wx
        fdown = v01 * (1 - wx) + v11 * wx
        feats.append(fup * (1 - wy) + fdown * wy)
    return jnp.concatenate(feats, axis=1)


def reference(x, emb0, emb1, emb2, W0, b0, W1, b1, W2, b2):
    idf = x[:, :1]
    uv = x[:, 1:3]
    dgf = _grid_features(uv, [emb0, emb1, emb2])
    h = jnp.concatenate([idf, dgf], axis=1)
    h = jnp.maximum(h @ W0.T + b0, 0.0)
    h = jnp.maximum(h @ W1.T + b1, 0.0)
    return h @ W2.T + b2

if __name__ == "__main__":
    import jax
    _d = setup_inputs()
    print(jax.jit(kernel)(*tuple(_d.values())))

</pallas_src>

<mosaic_0001>
#map = affine_map<(d0, d1) -> (0)>
#map1 = affine_map<(d0, d1) -> (0, 0)>
module attributes {stable_mosaic.version = 14 : i64} {
  func.func @k(%arg0: i32, %arg1: i32, %arg2: memref<1572864xf32, #tpu.memory_space<hbm>>, %arg3: memref<263168x8xf32, #tpu.memory_space<hbm>>, %arg4: memref<70144x8xf32, #tpu.memory_space<hbm>>, %arg5: memref<288x8xf32, #tpu.memory_space<hbm>>, %arg6: memref<524288x8xf32, #tpu.memory_space<hbm>>, %arg7: memref<524288x8xf32, #tpu.memory_space<hbm>>, %arg8: memref<524288x8xf32, #tpu.memory_space<hbm>>, %arg9: memref<524288x8xf32, #tpu.memory_space<hbm>>, %arg10: memref<524288x8xf32, #tpu.memory_space<hbm>>, %arg11: memref<524288x8xf32, #tpu.memory_space<hbm>>, %arg12: memref<2048xf32, #tpu.memory_space<vmem>>, %arg13: memref<2048xf32, #tpu.memory_space<vmem>>, %arg14: memref<2048xi32, #tpu.memory_space<vmem>>, %arg15: memref<2048xi32, #tpu.memory_space<vmem>>, %arg16: memref<2048xi32, #tpu.memory_space<vmem>>, %arg17: memref<2048xi32, #tpu.memory_space<vmem>>, %arg18: memref<2048xi32, #tpu.memory_space<vmem>>, %arg19: memref<2048xi32, #tpu.memory_space<vmem>>, %arg20: memref<2048x8xf32, #tpu.memory_space<vmem>>, %arg21: memref<2048x8xf32, #tpu.memory_space<vmem>>, %arg22: memref<2048x8xf32, #tpu.memory_space<vmem>>, %arg23: memref<2048x8xf32, #tpu.memory_space<vmem>>, %arg24: memref<2048x8xf32, #tpu.memory_space<vmem>>, %arg25: memref<2048x8xf32, #tpu.memory_space<vmem>>, %arg26: memref<!tpu.dma_semaphore, #tpu.memory_space<semaphore_mem>>, %arg27: memref<!tpu.dma_semaphore, #tpu.memory_space<semaphore_mem>>, %arg28: memref<!tpu.dma_semaphore, #tpu.memory_space<semaphore_mem>>, %arg29: memref<!tpu.dma_semaphore, #tpu.memory_space<semaphore_mem>>, %arg30: memref<!tpu.dma_semaphore, #tpu.memory_space<semaphore_mem>>, %arg31: memref<!tpu.dma_semaphore, #tpu.memory_space<semaphore_mem>>) attributes {dimension_semantics = [#tpu.dimension_semantics<core_parallel>, #tpu.dimension_semantics<subcore_parallel>], iteration_bounds = array<i64: 2, 16>, scalar_prefetch = 0 : i64, scratch_operands = 20 : i64, tpu.core_type = #tpu.core_type<sc_vector_subcore>, window_params = [{transform_indices = #map}, {transform_indices = #map1}, {transform_indices = #map1}, {transform_indices = #map1}, {transform_indices = #map1}, {transform_indices = #map1}, {transform_indices = #map1}, {transform_indices = #map1}, {transform_indices = #map1}, {transform_indices = #map1}]} {
    %mul3A = arith.constant 2 : i32
    %mul3A_0 = arith.muli %arg1, %mul3A : i32
    %add3A = arith.addi %mul3A_0, %arg0 : i32
    %scan3A = arith.constant 0 : i32
    %scan3A_1 = arith.constant 0 : i32
    %scan3A_2 = arith.constant 8 : i32
    %scan3A_3 = arith.addi %scan3A_1, %scan3A_2 : i32
    %scan3A_4 = arith.constant 1 : i32
    scf.for %scan3A_6 = %scan3A_1 to %scan3A_3 step %scan3A_4  : i32 {
      %mul3A_7 = arith.constant 16384 : i32
      %mul3A_8 = arith.muli %add3A, %mul3A_7 : i32
      %mul3A_9 = arith.constant 2048 : i32
      %mul3A_10 = arith.muli %scan3A_6, %mul3A_9 : i32
      %add3A_11 = arith.addi %mul3A_8, %mul3A_10 : i32
      %add3A_12 = arith.constant 524288 : i32
      %add3A_13 = arith.addi %add3A_12, %add3A_11 : i32
      "tpu.region"() ({
        %run_scoped3A = tpu.sem_alloc : memref<!tpu.dma_semaphore, #tpu.memory_space<semaphore_mem>>
        %dma_start3A_404 = tpu.memref_slice %arg2[%add3A_13] : memref<1572864xf32, #tpu.memory_space<hbm>> -> memref<2048xf32, #tpu.memory_space<hbm>>
        %dma_start3A_405 = tpu.memref_slice %arg2[%add3A_13] : memref<1572864xf32, #tpu.memory_space<hbm>> -> memref<2048xf32, #tpu.memory_space<hbm>>
        tpu.enqueue_dma source(%dma_start3A_405 : memref<2048xf32, #tpu.memory_space<hbm>>) target(%arg12 : memref<2048xf32, #tpu.memory_space<vmem>>) target_semaphore(%run_scoped3A : memref<!tpu.dma_semaphore, #tpu.memory_space<semaphore_mem>>)
        %dma_wait3A_406 = tpu.memref_slice %arg2[%add3A_13] : memref<1572864xf32, #tpu.memory_space<hbm>> -> memref<2048xf32, #tpu.memory_space<hbm>>
        %dma_wait3A_407 = tpu.memref_slice %arg2[%add3A_13] : memref<1572864xf32, #tpu.memory_space<hbm>> -> memref<2048xf32, #tpu.memory_space<hbm>>
        tpu.wait_dma2 semaphore(%run_scoped3A : memref<!tpu.dma_semaphore, #tpu.memory_space<semaphore_mem>>) src(%dma_wait3A_407 : memref<2048xf32, #tpu.memory_space<hbm>>) dst(%arg12 : memref<2048xf32, #tpu.memory_space<vmem>>)
        tpu.yield
      }) : () -> ()
      %add3A_14 = arith.constant 1048576 : i32
      %add3A_15 = arith.addi %add3A_14, %add3A_11 : i32
      "tpu.region"() ({
        %run_scoped3A = tpu.sem_alloc : memref<!tpu.dma_semaphore, #tpu.memory_space<semaphore_mem>>
        %dma_start3A_404 = tpu.memref_slice %arg2[%add3A_15] : memref<1572864xf32, #tpu.memory_space<hbm>> -> memref<2048xf32, #tpu.memory_space<hbm>>
        %dma_start3A_405 = tpu.memref_slice %arg2[%add3A_15] : memref<1572864xf32, #tpu.memory_space<hbm>> -> memref<2048xf32, #tpu.memory_space<hbm>>
        tpu.enqueue_dma source(%dma_start3A_405 : memref<2048xf32, #tpu.memory_space<hbm>>) target(%arg13 : memref<2048xf32, #tpu.memory_space<vmem>>) target_semaphore(%run_scoped3A : memref<!tpu.dma_semaphore, #tpu.memory_space<semaphore_mem>>)
        %dma_wait3A_406 = tpu.memref_slice %arg2[%add3A_15] : memref<1572864xf32, #tpu.memory_space<hbm>> -> memref<2048xf32, #tpu.memory_space<hbm>>
        %dma_wait3A_407 = tpu.memref_slice %arg2[%add3A_15] : memref<1572864xf32, #tpu.memory_space<hbm>> -> memref<2048xf32, #tpu.memory_space<hbm>>
        tpu.wait_dma2 semaphore(%run_scoped3A : memref<!tpu.dma_semaphore, #tpu.memory_space<semaphore_mem>>) src(%dma_wait3A_407 : memref<2048xf32, #tpu.memory_space<hbm>>) dst(%arg13 : memref<2048xf32, #tpu.memory_space<vmem>>)
        tpu.yield
      }) : () -> ()
      %scan3A_16 = arith.constant 0 : i32
      %scan3A_17 = arith.constant 0 : i32
      %scan3A_18 = arith.constant 128 : i32
      %scan3A_19 = arith.addi %scan3A_17, %scan3A_18 : i32
      %scan3A_20 = arith.constant 1 : i32
      scf.for %scan3A_404 = %scan3A_17 to %scan3A_19 step %scan3A_20  : i32 {
        %mul3A_405 = arith.constant 16 : i32
        %mul3A_406 = arith.muli %scan3A_404, %mul3A_405 : i32
        %get3A = arith.index_cast %mul3A_406 : i32 to index
        %get3A_407 = tpu.vector_load %arg12[%get3A] {strides = array<i32>} : memref<2048xf32, #tpu.memory_space<vmem>>, vector<16xf32>,
        %get3A_408 = vector.shape_cast %get3A_407 : vector<16xf32> to vector<16xf32>
        %get3A_409 = arith.index_cast %mul3A_406 : i32 to index
        %get3A_410 = tpu.vector_load %arg13[%get3A_409] {strides = array<i32>} : memref<2048xf32, #tpu.memory_space<vmem>>, vector<16xf32>,
        %get3A_411 = vector.shape_cast %get3A_410 : vector<16xf32> to vector<16xf32>
        %mul3A_412 = arith.constant 5.120000e+02 : f32
        %mul3A_413 = vector.broadcast %mul3A_412 : f32 to vector<16xf32>
        %mul3A_414 = arith.mulf %get3A_408, %mul3A_413 : vector<16xf32>
        %convert_element_type3A = arith.fptosi %mul3A_414 : vector<16xf32> to vector<16xi32>
        %mul3A_415 = arith.constant 5.120000e+02 : f32
        %mul3A_416 = vector.broadcast %mul3A_415 : f32 to vector<16xf32>
        %mul3A_417 = arith.mulf %get3A_411, %mul3A_416 : vector<16xf32>
        %convert_element_type3A_418 = arith.fptosi %mul3A_417 : vector<16xf32> to vector<16xi32>
        %mul3A_419 = arith.constant 512 : i32
        %mul3A_420 = vector.broadcast %mul3A_419 : i32 to vector<16xi32>
        %mul3A_421 = arith.muli %convert_element_type3A_418, %mul3A_420 : vector<16xi32>
        %add3A_422 = arith.addi %mul3A_421, %convert_element_type3A : vector<16xi32>
        %shift_right_arithmetic3A = arith.constant 1 : i32
        %shift_right_arithmetic3A_423 = vector.broadcast %shift_right_arithmetic3A : i32 to vector<16xi32>
        %shift_right_arithmetic3A_424 = arith.shrsi %add3A_422, %shift_right_arithmetic3A_423 : vector<16xi32>
        %and3A = arith.constant 1 : i32
        %and3A_425 = vector.broadcast %and3A : i32 to vector<16xi32>
        %and3A_426 = arith.andi %add3A_422, %and3A_425 : vector<16xi32>
        %mul3A_427 = arith.constant 131584 : i32
        %mul3A_428 = vector.broadcast %mul3A_427 : i32 to vector<16xi32>
        %mul3A_429 = arith.muli %and3A_426, %mul3A_428 : vector<16xi32>
        %add3A_430 = arith.addi %shift_right_arithmetic3A_424, %mul3A_429 : vector<16xi32>
        %swap3A = arith.index_cast %mul3A_406 : i32 to index
        %swap3A_431 = tpu.vector_load %arg14[%swap3A] {strides = array<i32>} : memref<2048xi32, #tpu.memory_space<vmem>>, vector<16xi32>,
        %swap3A_432 = vector.shape_cast %swap3A_431 : vector<16xi32> to vector<16xi32>
        %swap3A_433 = vector.shape_cast %add3A_430 : vector<16xi32> to vector<16xi32>
        tpu.vector_store %arg14[%swap3A], %swap3A_433 {strides = array<i32>} : memref<2048xi32, #tpu.memory_space<vmem>>, vector<16xi32>,
        %add3A_434 = arith.constant 256 : i32
        %add3A_435 = vector.broadcast %add3A_434 : i32 to vector<16xi32>
        %add3A_436 = arith.addi %add3A_430, %add3A_435 : vector<16xi32>
        %swap3A_437 = arith.index_cast %mul3A_406 : i32 to index
        %swap3A_438 = tpu.vector_load %arg15[%swap3A_437] {strides = array<i32>} : memref<2048xi32, #tpu.memory_space<vmem>>, vector<16xi32>,
        %swap3A_439 = vector.shape_cast %swap3A_438 : vector<16xi32> to vector<16xi32>
        %swap3A_440 = vector.shape_cast %add3A_436 : vector<16xi32> to vector<16xi32>
        tpu.vector_store %arg15[%swap3A_437], %swap3A_440 {strides = array<i32>} : memref<2048xi32, #tpu.memory_space<vmem>>, vector<16xi32>,
        %mul3A_441 = arith.constant 2.640000e+02 : f32
        %mul3A_442 = vector.broadcast %mul3A_441 : f32 to vector<16xf32>
        %mul3A_443 = arith.mulf %get3A_408, %mul3A_442 : vector<16xf32>
        %convert_element_type3A_444 = arith.fptosi %mul3A_443 : vector<16xf32> to vector<16xi32>
        %mul3A_445 = arith.constant 2.640000e+02 : f32
        %mul3A_446 = vector.broadcast %mul3A_445 : f32 to vector<16xf32>
        %mul3A_447 = arith.mulf %get3A_411, %mul3A_446 : vector<16xf32>
        %convert_element_type3A_448 = arith.fptosi %mul3A_447 : vector<16xf32> to vector<16xi32>
        %mul3A_449 = arith.constant 264 : i32
        %mul3A_450 = vector.broadcast %mul3A_449 : i32 to vector<16xi32>
        %mul3A_451 = arith.muli %convert_element_type3A_448, %mul3A_450 : vector<16xi32>
        %add3A_452 = arith.addi %mul3A_451, %convert_element_type3A_444 : vector<16xi32>
        %shift_right_arithmetic3A_453 = arith.constant 1 : i32
        %shift_right_arithmetic3A_454 = vector.broadcast %shift_right_arithmetic3A_453 : i32 to vector<16xi32>
        %shift_right_arithmetic3A_455 = arith.shrsi %add3A_452, %shift_right_arithmetic3A_454 : vector<16xi32>
        %and3A_456 = arith.constant 1 : i32
        %and3A_457 = vector.broadcast %and3A_456 : i32 to vector<16xi32>
        %and3A_458 = arith.andi %add3A_452, %and3A_457 : vector<16xi32>
        %mul3A_459 = arith.constant 35072 : i32
        %mul3A_460 = vector.broadcast %mul3A_459 : i32 to vector<16xi32>
        %mul3A_461 = arith.muli %and3A_458, %mul3A_460 : vector<16xi32>
        %add3A_462 = arith.addi %shift_right_arithmetic3A_455, %mul3A_461 : vector<16xi32>
        %swap3A_463 = arith.index_cast %mul3A_406 : i32 to index
        %swap3A_464 = tpu.vector_load %arg16[%swap3A_463] {strides = array<i32>} : memref<2048xi32, #tpu.memory_space<vmem>>, vector<16xi32>,
        %swap3A_465 = vector.shape_cast %swap3A_464 : vector<16xi32> to vector<16xi32>
        %swap3A_466 = vector.shape_cast %add3A_462 : vector<16xi32> to vector<16xi32>
        tpu.vector_store %arg16[%swap3A_463], %swap3A_466 {strides = array<i32>} : memref<2048xi32, #tpu.memory_space<vmem>>, vector<16xi32>,
        %add3A_467 = arith.constant 132 : i32
        %add3A_468 = vector.broadcast %add3A_467 : i32 to vector<16xi32>
        %add3A_469 = arith.addi %add3A_462, %add3A_468 : vector<16xi32>
        %swap3A_470 = arith.index_cast %mul3A_406 : i32 to index
        %swap3A_471 = tpu.vector_load %arg17[%swap3A_470] {strides = array<i32>} : memref<2048xi32, #tpu.memory_space<vmem>>, vector<16xi32>,
        %swap3A_472 = vector.shape_cast %swap3A_471 : vector<16xi32> to vector<16xi32>
        %swap3A_473 = vector.shape_cast %add3A_469 : vector<16xi32> to vector<16xi32>
        tpu.vector_store %arg17[%swap3A_470], %swap3A_473 {strides = array<i32>} : memref<2048xi32, #tpu.memory_space<vmem>>, vector<16xi32>,
        %mul3A_474 = arith.constant 1.600000e+01 : f32
        %mul3A_475 = vector.broadcast %mul3A_474 : f32 to vector<16xf32>
        %mul3A_476 = arith.mulf %get3A_408, %mul3A_475 : vector<16xf32>
        %convert_element_type3A_477 = arith.fptosi %mul3A_476 : vector<16xf32> to vector<16xi32>
        %mul3A_478 = arith.constant 1.600000e+01 : f32
        %mul3A_479 = vector.broadcast %mul3A_478 : f32 to vector<16xf32>
        %mul3A_480 = arith.mulf %get3A_411, %mul3A_479 : vector<16xf32>
        %convert_element_type3A_481 = arith.fptosi %mul3A_480 : vector<16xf32> to vector<16xi32>
        %mul3A_482 = arith.constant 16 : i32
        %mul3A_483 = vector.broadcast %mul3A_482 : i32 to vector<16xi32>
        %mul3A_484 = arith.muli %convert_element_type3A_481, %mul3A_483 : vector<16xi32>
        %add3A_485 = arith.addi %mul3A_484, %convert_element_type3A_477 : vector<16xi32>
        %shift_right_arithmetic3A_486 = arith.constant 1 : i32
        %shift_right_arithmetic3A_487 = vector.broadcast %shift_right_arithmetic3A_486 : i32 to vector<16xi32>
        %shift_right_arithmetic3A_488 = arith.shrsi %add3A_485, %shift_right_arithmetic3A_487 : vector<16xi32>
        %and3A_489 = arith.constant 1 : i32
        %and3A_490 = vector.broadcast %and3A_489 : i32 to vector<16xi32>
        %and3A_491 = arith.andi %add3A_485, %and3A_490 : vector<16xi32>
        %mul3A_492 = arith.constant 144 : i32
        %mul3A_493 = vector.broadcast %mul3A_492 : i32 to vector<16xi32>
        %mul3A_494 = arith.muli %and3A_491, %mul3A_493 : vector<16xi32>
        %add3A_495 = arith.addi %shift_right_arithmetic3A_488, %mul3A_494 : vector<16xi32>
        %swap3A_496 = arith.index_cast %mul3A_406 : i32 to index
        %swap3A_497 = tpu.vector_load %arg18[%swap3A_496] {strides = array<i32>} : memref<2048xi32, #tpu.memory_space<vmem>>, vector<16xi32>,
        %swap3A_498 = vector.shape_cast %swap3A_497 : vector<16xi32> to vector<16xi32>
        %swap3A_499 = vector.shape_cast %add3A_495 : vector<16xi32> to vector<16xi32>
        tpu.vector_store %arg18[%swap3A_496], %swap3A_499 {strides = array<i32>} : memref<2048xi32, #tpu.memory_space<vmem>>, vector<16xi32>,
        %add3A_500 = arith.constant 8 : i32
        %add3A_501 = vector.broadcast %add3A_500 : i32 to vector<16xi32>
        %add3A_502 = arith.addi %add3A_495, %add3A_501 : vector<16xi32>
        %swap3A_503 = arith.index_cast %mul3A_406 : i32 to index
        %swap3A_504 = tpu.vector_load %arg19[%swap3A_503] {strides = array<i32>} : memref<2048xi32, #tpu.memory_space<vmem>>, vector<16xi32>,
        %swap3A_505 = vector.shape_cast %swap3A_504 : vector<16xi32> to vector<16xi32>
        %swap3A_506 = vector.shape_cast %add3A_502 : vector<16xi32> to vector<16xi32>
        tpu.vector_store %arg19[%swap3A_503], %swap3A_506 {strides = array<i32>} : memref<2048xi32, #tpu.memory_space<vmem>>, vector<16xi32>,
      }
      %scan3A_21 = arith.constant 128 : i32
      %dma_start3A = arith.constant 0 : i32
      %dma_start3A_22 = arith.constant 0 : i32
      %dma_start3A_23 = tpu.memref_slice %arg20[%dma_start3A, %dma_start3A_22] : memref<2048x8xf32, #tpu.memory_space<vmem>> -> memref<512x8xf32, #tpu.memory_space<vmem>>
      %dma_start3A_24 = arith.constant 0 : i32
      %dma_start3A_25 = tpu.memref_slice %arg14[%dma_start3A_24] : memref<2048xi32, #tpu.memory_space<vmem>> -> memref<512xi32, #tpu.memory_space<vmem>>
      %dma_start3A_26 = arith.constant 0 : i32
      %dma_start3A_27 = arith.constant 0 : i32
      %dma_start3A_28 = tpu.memref_slice %arg3[%dma_start3A_26, %dma_start3A_27] : memref<263168x8xf32, #tpu.memory_space<hbm>> -> memref<263168x8xf32, #tpu.memory_space<hbm>>
      tpu.enqueue_indirect_dma source(%dma_start3A_28 : memref<263168x8xf32, #tpu.memory_space<hbm>>) target(%dma_start3A_23 : memref<512x8xf32, #tpu.memory_space<vmem>>) offsets(%dma_start3A_25 : memref<512xi32, #tpu.memory_space<vmem>>) semaphore(%arg26 : memref<!tpu.dma_semaphore, #tpu.memory_space<semaphore_mem>>)
      %dma_start3A_29 = arith.constant 512 : i32
      %dma_start3A_30 = arith.constant 0 : i32
      %dma_start3A_31 = tpu.memref_slice %arg20[%dma_start3A_29, %dma_start3A_30] : memref<2048x8xf32, #tpu.memory_space<vmem>> -> memref<512x8xf32, #tpu.memory_space<vmem>>
      %dma_start3A_32 = arith.constant 512 : i32
      %dma_start3A_33 = tpu.memref_slice %arg14[%dma_start3A_32] : memref<2048xi32, #tpu.memory_space<vmem>> -> memref<512xi32, #tpu.memory_space<vmem>>
      %dma_start3A_34 = arith.constant 0 : i32
      %dma_start3A_35 = arith.constant 0 : i32
      %dma_start3A_36 = tpu.memref_slice %arg3[%dma_start3A_34, %dma_start3A_35] : memref<263168x8xf32, #tpu.memory_space<hbm>> -> memref<263168x8xf32, #tpu.memory_space<hbm>>
      tpu.enqueue_indirect_dma source(%dma_start3A_36 : memref<263168x8xf32, #tpu.memory_space<hbm>>) target(%dma_start3A_31 : memref<512x8xf32, #tpu.memory_space<vmem>>) offsets(%dma_start3A_33 : memref<512xi32, #tpu.memory_space<vmem>>) semaphore(%arg26 : memref<!tpu.dma_semaphore, #tpu.memory_space<semaphore_mem>>)
      %dma_start3A_37 = arith.constant 1024 : i32
      %dma_start3A_38 = arith.constant 0 : i32
      %dma_start3A_39 = tpu.memref_slice %arg20[%dma_start3A_37, %dma_start3A_38] : memref<2048x8xf32, #tpu.memory_space<vmem>> -> memref<512x8xf32, #tpu.memory_space<vmem>>
      %dma_start3A_40 = arith.constant 1024 : i32
      %dma_start3A_41 = tpu.memref_slice %arg14[%dma_start3A_40] : memref<2048xi32, #tpu.memory_space<vmem>> -> memref<512xi32, #tpu.memory_space<vmem>>
      %dma_start3A_42 = arith.constant 0 : i32
      %dma_start3A_43 = arith.constant 0 : i32
      %dma_start3A_44 = tpu.memref_slice %arg3[%dma_start3A_42, %dma_start3A_43] : memref<263168x8xf32, #tpu.memory_space<hbm>> -> memref<263168x8xf32, #tpu.memory_space<hbm>>
      tpu.enqueue_indirect_dma source(%dma_start3A_44 : memref<263168x8xf32, #tpu.memory_space<hbm>>) target(%dma_start3A_39 : memref<512x8xf32, #tpu.memory_space<vmem>>) offsets(%dma_start3A_41 : memref<512xi32, #tpu.memory_space<vmem>>) semaphore(%arg26 : memref<!tpu.dma_semaphore, #tpu.memory_space<semaphore_mem>>)
      %dma_start3A_45 = arith.constant 1536 : i32
      %dma_start3A_46 = arith.constant 0 : i32
      %dma_start3A_47 = tpu.memref_slice %arg20[%dma_start3A_45, %dma_start3A_46] : memref<2048x8xf32, #tpu.memory_space<vmem>> -> memref<512x8xf32, #tpu.memory_space<vmem>>
      %dma_start3A_48 = arith.constant 1536 : i32
      %dma_start3A_49 = tpu.memref_slice %arg14[%dma_start3A_48] : memref<2048xi32, #tpu.memory_space<vmem>> -> memref<512xi32, #tpu.memory_space<vmem>>
      %dma_start3A_50 = arith.constant 0 : i32
      %dma_start3A_51 = arith.constant 0 : i32
      %dma_start3A_52 = tpu.memref_slice %arg3[%dma_start3A_50, %dma_start3A_51] : memref<263168x8xf32, #tpu.memory_space<hbm>> -> memref<263168x8xf32, #tpu.memory_space<hbm>>
      tpu.enqueue_indirect_dma source(%dma_start3A_52 : memref<263168x8xf32, #tpu.memory_space<hbm>>) target(%dma_start3A_47 : memref<512x8xf32, #tpu.memory_space<vmem>>) offsets(%dma_start3A_49 : memref<512xi32, #tpu.memory_space<vmem>>) semaphore(%arg26 : memref<!tpu.dma_semaphore, #tpu.memory_space<semaphore_mem>>)
      %dma_start3A_53 = arith.constant 0 : i32
      %dma_start3A_54 = arith.constant 0 : i32
      %dma_start3A_55 = tpu.memref_slice %arg21[%dma_start3A_53, %dma_start3A_54] : memref<2048x8xf32, #tpu.memory_space<vmem>> -> memref<512x8xf32, #tpu.memory_space<vmem>>
      %dma_start3A_56 = arith.constant 0 : i32
      %dma_start3A_57 = tpu.memref_slice %arg15[%dma_start3A_56] : memref<2048xi32, #tpu.memory_space<vmem>> -> memref<512xi32, #tpu.memory_space<vmem>>
      %dma_start3A_58 = arith.constant 0 : i32
      %dma_start3A_59 = arith.constant 0 : i32
      %dma_start3A_60 = tpu.memref_slice %arg3[%dma_start3A_58, %dma_start3A_59] : memref<263168x8xf32, #tpu.memory_space<hbm>> -> memref<263168x8xf32, #tpu.memory_space<hbm>>
      tpu.enqueue_indirect_dma source(%dma_start3A_60 : memref<263168x8xf32, #tpu.memory_space<hbm>>) target(%dma_start3A_55 : memref<512x8xf32, #tpu.memory_space<vmem>>) offsets(%dma_start3A_57 : memref<512xi32, #tpu.memory_space<vmem>>) semaphore(%arg27 : memref<!tpu.dma_semaphore, #tpu.memory_space<semaphore_mem>>)
      %dma_start3A_61 = arith.constant 512 : i32
      %dma_start3A_62 = arith.constant 0 : i32
      %dma_start3A_63 = tpu.memref_slice %arg21[%dma_start3A_61, %dma_start3A_62] : memref<2048x8xf32, #tpu.memory_space<vmem>> -> memref<512x8xf32, #tpu.memory_space<vmem>>
      %dma_start3A_64 = arith.constant 512 : i32
      %dma_start3A_65 = tpu.memref_slice %arg15[%dma_start3A_64] : memref<2048xi32, #tpu.memory_space<vmem>> -> memref<512xi32, #tpu.memory_space<vmem>>
      %dma_start3A_66 = arith.constant 0 : i32
      %dma_start3A_67 = arith.constant 0 : i32
      %dma_start3A_68 = tpu.memref_slice %arg3[%dma_start3A_66, %dma_start3A_67] : memref<263168x8xf32, #tpu.memory_space<hbm>> -> memref<263168x8xf32, #tpu.memory_space<hbm>>
      tpu.enqueue_indirect_dma source(%dma_start3A_68 : memref<263168x8xf32, #tpu.memory_space<hbm>>) target(%dma_start3A_63 : memref<512x8xf32, #tpu.memory_space<vmem>>) offsets(%dma_start3A_65 : memref<512xi32, #tpu.memory_space<vmem>>) semaphore(%arg27 : memref<!tpu.dma_semaphore, #tpu.memory_space<semaphore_mem>>)
      %dma_start3A_69 = arith.constant 1024 : i32
      %dma_start3A_70 = arith.constant 0 : i32
      %dma_start3A_71 = tpu.memref_slice %arg21[%dma_start3A_69, %dma_start3A_70] : memref<2048x8xf32, #tpu.memory_space<vmem>> -> memref<512x8xf32, #tpu.memory_space<vmem>>
      %dma_start3A_72 = arith.constant 1024 : i32
      %dma_start3A_73 = tpu.memref_slice %arg15[%dma_start3A_72] : memref<2048xi32, #tpu.memory_space<vmem>> -> memref<512xi32, #tpu.memory_space<vmem>>
      %dma_start3A_74 = arith.constant 0 : i32
      %dma_start3A_75 = arith.constant 0 : i32
      %dma_start3A_76 = tpu.memref_slice %arg3[%dma_start3A_74, %dma_start3A_75] : memref<263168x8xf32, #tpu.memory_space<hbm>> -> memref<263168x8xf32, #tpu.memory_space<hbm>>
      tpu.enqueue_indirect_dma source(%dma_start3A_76 : memref<263168x8xf32, #tpu.memory_space<hbm>>) target(%dma_start3A_71 : memref<512x8xf32, #tpu.memory_space<vmem>>) offsets(%dma_start3A_73 : memref<512xi32, #tpu.memory_space<vmem>>) semaphore(%arg27 : memref<!tpu.dma_semaphore, #tpu.memory_space<semaphore_mem>>)
      %dma_start3A_77 = arith.constant 1536 : i32
      %dma_start3A_78 = arith.constant 0 : i32
      %dma_start3A_79 = tpu.memref_slice %arg21[%dma_start3A_77, %dma_start3A_78] : memref<2048x8xf32, #tpu.memory_space<vmem>> -> memref<512x8xf32, #tpu.memory_space<vmem>>
      %dma_start3A_80 = arith.constant 1536 : i32
      %dma_start3A_81 = tpu.memref_slice %arg15[%dma_start3A_80] : memref<2048xi32, #tpu.memory_space<vmem>> -> memref<512xi32, #tpu.memory_space<vmem>>
      %dma_start3A_82 = arith.constant 0 : i32
      %dma_start3A_83 = arith.constant 0 : i32
      %dma_start3A_84 = tpu.memref_slice %arg3[%dma_start3A_82, %dma_start3A_83] : memref<263168x8xf32, #tpu.memory_space<hbm>> -> memref<263168x8xf32, #tpu.memory_space<hbm>>
      tpu.enqueue_indirect_dma source(%dma_start3A_84 : memref<263168x8xf32, #tpu.memory_space<hbm>>) target(%dma_start3A_79 : memref<512x8xf32, #tpu.memory_space<vmem>>) offsets(%dma_start3A_81 : memref<512xi32, #tpu.memory_space<vmem>>) semaphore(%arg27 : memref<!tpu.dma_semaphore, #tpu.memory_space<semaphore_mem>>)
      %dma_start3A_85 = arith.constant 0 : i32
      %dma_start3A_86 = arith.constant 0 : i32
      %dma_start3A_87 = tpu.memref_slice %arg22[%dma_start3A_85, %dma_start3A_86] : memref<2048x8xf32, #tpu.memory_space<vmem>> -> memref<512x8xf32, #tpu.memory_space<vmem>>
      %dma_start3A_88 = arith.constant 0 : i32
      %dma_start3A_89 = tpu.memref_slice %arg16[%dma_start3A_88] : memref<2048xi32, #tpu.memory_space<vmem>> -> memref<512xi32, #tpu.memory_space<vmem>>
      %dma_start3A_90 = arith.constant 0 : i32
      %dma_start3A_91 = arith.constant 0 : i32
      %dma_start3A_92 = tpu.memref_slice %arg4[%dma_start3A_90, %dma_start3A_91] : memref<70144x8xf32, #tpu.memory_space<hbm>> -> memref<70144x8xf32, #tpu.memory_space<hbm>>
      tpu.enqueue_indirect_dma source(%dma_start3A_92 : memref<70144x8xf32, #tpu.memory_space<hbm>>) target(%dma_start3A_87 : memref<512x8xf32, #tpu.memory_space<vmem>>) offsets(%dma_start3A_89 : memref<512xi32, #tpu.memory_space<vmem>>) semaphore(%arg28 : memref<!tpu.dma_semaphore, #tpu.memory_space<semaphore_mem>>)
      %dma_start3A_93 = arith.constant 512 : i32
      %dma_start3A_94 = arith.constant 0 : i32
      %dma_start3A_95 = tpu.memref_slice %arg22[%dma_start3A_93, %dma_start3A_94] : memref<2048x8xf32, #tpu.memory_space<vmem>> -> memref<512x8xf32, #tpu.memory_space<vmem>>
      %dma_start3A_96 = arith.constant 512 : i32
      %dma_start3A_97 = tpu.memref_slice %arg16[%dma_start3A_96] : memref<2048xi32, #tpu.memory_space<vmem>> -> memref<512xi32, #tpu.memory_space<vmem>>
      %dma_start3A_98 = arith.constant 0 : i32
      %dma_start3A_99 = arith.constant 0 : i32
      %dma_start3A_100 = tpu.memref_slice %arg4[%dma_start3A_98, %dma_start3A_99] : memref<70144x8xf32, #tpu.memory_space<hbm>> -> memref<70144x8xf32, #tpu.memory_space<hbm>>
      tpu.enqueue_indirect_dma source(%dma_start3A_100 : memref<70144x8xf32, #tpu.memory_space<hbm>>) target(%dma_start3A_95 : memref<512x8xf32, #tpu.memory_space<vmem>>) offsets(%dma_start3A_97 : memref<512xi32, #tpu.memory_space<vmem>>) semaphore(%arg28 : memref<!tpu.dma_semaphore, #tpu.memory_space<semaphore_mem>>)
      %dma_start3A_101 = arith.constant 1024 : i32
      %dma_start3A_102 = arith.constant 0 : i32
      %dma_start3A_103 = tpu.memref_slice %arg22[%dma_start3A_101, %dma_start3A_102] : memref<2048x8xf32, #tpu.memory_space<vmem>> -> memref<512x8xf32, #tpu.memory_space<vmem>>
      %dma_start3A_104 = arith.constant 1024 : i32
      %dma_start3A_105 = tpu.memref_slice %arg16[%dma_start3A_104] : memref<2048xi32, #tpu.memory_space<vmem>> -> memref<512xi32, #tpu.memory_space<vmem>>
      %dma_start3A_106 = arith.constant 0 : i32
      %dma_start3A_107 = arith.constant 0 : i32
      %dma_start3A_108 = tpu.memref_slice %arg4[%dma_start3A_106, %dma_start3A_107] : memref<70144x8xf32, #tpu.memory_space<hbm>> -> memref<70144x8xf32, #tpu.memory_space<hbm>>
      tpu.enqueue_indirect_dma source(%dma_start3A_108 : memref<70144x8xf32, #tpu.memory_space<hbm>>) target(%dma_start3A_103 : memref<512x8xf32, #tpu.memory_space<vmem>>) offsets(%dma_start3A_105 : memref<512xi32, #tpu.memory_space<vmem>>) semaphore(%arg28 : memref<!tpu.dma_semaphore, #tpu.memory_space<semaphore_mem>>)
      %dma_start3A_109 = arith.constant 1536 : i32
      %dma_start3A_110 = arith.constant 0 : i32
      %dma_start3A_111 = tpu.memref_slice %arg22[%dma_start3A_109, %dma_start3A_110] : memref<2048x8xf32, #tpu.memory_space<vmem>> -> memref<512x8xf32, #tpu.memory_space<vmem>>
      %dma_start3A_112 = arith.constant 1536 : i32
      %dma_start3A_113 = tpu.memref_slice %arg16[%dma_start3A_112] : memref<2048xi32, #tpu.memory_space<vmem>> -> memref<512xi32, #tpu.memory_space<vmem>>
      %dma_start3A_114 = arith.constant 0 : i32
      %dma_start3A_115 = arith.constant 0 : i32
      %dma_start3A_116 = tpu.memref_slice %arg4[%dma_start3A_114, %dma_start3A_115] : memref<70144x8xf32, #tpu.memory_space<hbm>> -> memref<70144x8xf32, #tpu.memory_space<hbm>>
      tpu.enqueue_indirect_dma source(%dma_start3A_116 : memref<70144x8xf32, #tpu.memory_space<hbm>>) target(%dma_start3A_111 : memref<512x8xf32, #tpu.memory_space<vmem>>) offsets(%dma_start3A_113 : memref<512xi32, #tpu.memory_space<vmem>>) semaphore(%arg28 : memref<!tpu.dma_semaphore, #tpu.memory_space<semaphore_mem>>)
      %dma_start3A_117 = arith.constant 0 : i32
      %dma_start3A_118 = arith.constant 0 : i32
      %dma_start3A_119 = tpu.memref_slice %arg23[%dma_start3A_117, %dma_start3A_118] : memref<2048x8xf32, #tpu.memory_space<vmem>> -> memref<512x8xf32, #tpu.memory_space<vmem>>
      %dma_start3A_120 = arith.constant 0 : i32
      %dma_start3A_121 = tpu.memref_slice %arg17[%dma_start3A_120] : memref<2048xi32, #tpu.memory_space<vmem>> -> memref<512xi32, #tpu.memory_space<vmem>>
      %dma_start3A_122 = arith.constant 0 : i32
      %dma_start3A_123 = arith.constant 0 : i32
      %dma_start3A_124 = tpu.memref_slice %arg4[%dma_start3A_122, %dma_start3A_123] : memref<70144x8xf32, #tpu.memory_space<hbm>> -> memref<70144x8xf32, #tpu.memory_space<hbm>>
      tpu.enqueue_indirect_dma source(%dma_start3A_124 : memref<70144x8xf32, #tpu.memory_space<hbm>>) target(%dma_start3A_119 : memref<512x8xf32, #tpu.memory_space<vmem>>) offsets(%dma_start3A_121 : memref<512xi32, #tpu.memory_space<vmem>>) semaphore(%arg29 : memref<!tpu.dma_semaphore, #tpu.memory_space<semaphore_mem>>)
      %dma_start3A_125 = arith.constant 512 : i32
      %dma_start3A_126 = arith.constant 0 : i32
      %dma_start3A_127 = tpu.memref_slice %arg23[%dma_start3A_125, %dma_start3A_126] : memref<2048x8xf32, #tpu.memory_space<vmem>> -> memref<512x8xf32, #tpu.memory_space<vmem>>
      %dma_start3A_128 = arith.constant 512 : i32
      %dma_start3A_129 = tpu.memref_slice %arg17[%dma_start3A_128] : memref<2048xi32, #tpu.memory_space<vmem>> -> memref<512xi32, #tpu.memory_space<vmem>>
      %dma_start3A_130 = arith.constant 0 : i32
      %dma_start3A_131 = arith.constant 0 : i32
      %dma_start3A_132 = tpu.memref_slice %arg4[%dma_start3A_130, %dma_start3A_131] : memref<70144x8xf32, #tpu.memory_space<hbm>> -> memref<70144x8xf32, #tpu.memory_space<hbm>>
      tpu.enqueue_indirect_dma source(%dma_start3A_132 : memref<70144x8xf32, #tpu.memory_space<hbm>>) target(%dma_start3A_127 : memref<512x8xf32, #tpu.memory_space<vmem>>) offsets(%dma_start3A_129 : memref<512xi32, #tpu.memory_space<vmem>>) semaphore(%arg29 : memref<!tpu.dma_semaphore, #tpu.memory_space<semaphore_mem>>)
      %dma_start3A_133 = arith.constant 1024 : i32
      %dma_start3A_134 = arith.constant 0 : i32
      %dma_start3A_135 = tpu.memref_slice %arg23[%dma_start3A_133, %dma_start3A_134] : memref<2048x8xf32, #tpu.memory_space<vmem>> -> memref<512x8xf32, #tpu.memory_space<vmem>>
      %dma_start3A_136 = arith.constant 1024 : i32
      %dma_start3A_137 = tpu.memref_slice %arg17[%dma_start3A_136] : memref<2048xi32, #tpu.memory_space<vmem>> -> memref<512xi32, #tpu.memory_space<vmem>>
      %dma_start3A_138 = arith.constant 0 : i32
      %dma_start3A_139 = arith.constant 0 : i32
      %dma_start3A_140 = tpu.memref_slice %arg4[%dma_start3A_138, %dma_start3A_139] : memref<70144x8xf32, #tpu.memory_space<hbm>> -> memref<70144x8xf32, #tpu.memory_space<hbm>>
      tpu.enqueue_indirect_dma source(%dma_start3A_140 : memref<70144x8xf32, #tpu.memory_space<hbm>>) target(%dma_start3A_135 : memref<512x8xf32, #tpu.memory_space<vmem>>) offsets(%dma_start3A_137 : memref<512xi32, #tpu.memory_space<vmem>>) semaphore(%arg29 : memref<!tpu.dma_semaphore, #tpu.memory_space<semaphore_mem>>)
      %dma_start3A_141 = arith.constant 1536 : i32
      %dma_start3A_142 = arith.constant 0 : i32
      %dma_start3A_143 = tpu.memref_slice %arg23[%dma_start3A_141, %dma_start3A_142] : memref<2048x8xf32, #tpu.memory_space<vmem>> -> memref<512x8xf32, #tpu.memory_space<vmem>>
      %dma_start3A_144 = arith.constant 1536 : i32
      %dma_start3A_145 = tpu.memref_slice %arg17[%dma_start3A_144] : memref<2048xi32, #tpu.memory_space<vmem>> -> memref<512xi32, #tpu.memory_space<vmem>>
      %dma_start3A_146 = arith.constant 0 : i32
      %dma_start3A_147 = arith.constant 0 : i32
      %dma_start3A_148 = tpu.memref_slice %arg4[%dma_start3A_146, %dma_start3A_147] : memref<70144x8xf32, #tpu.memory_space<hbm>> -> memref<70144x8xf32, #tpu.memory_space<hbm>>
      tpu.enqueue_indirect_dma source(%dma_start3A_148 : memref<70144x8xf32, #tpu.memory_space<hbm>>) target(%dma_start3A_143 : memref<512x8xf32, #tpu.memory_space<vmem>>) offsets(%dma_start3A_145 : memref<512xi32, #tpu.memory_space<vmem>>) semaphore(%arg29 : memref<!tpu.dma_semaphore, #tpu.memory_space<semaphore_mem>>)
      %dma_start3A_149 = arith.constant 0 : i32
      %dma_start3A_150 = arith.constant 0 : i32
      %dma_start3A_151 = tpu.memref_slice %arg24[%dma_start3A_149, %dma_start3A_150] : memref<2048x8xf32, #tpu.memory_space<vmem>> -> memref<512x8xf32, #tpu.memory_space<vmem>>
      %dma_start3A_152 = arith.constant 0 : i32
      %dma_start3A_153 = tpu.memref_slice %arg18[%dma_start3A_152] : memref<2048xi32, #tpu.memory_space<vmem>> -> memref<512xi32, #tpu.memory_space<vmem>>
      %dma_start3A_154 = arith.constant 0 : i32
      %dma_start3A_155 = arith.constant 0 : i32
      %dma_start3A_156 = tpu.memref_slice %arg5[%dma_start3A_154, %dma_start3A_155] : memref<288x8xf32, #tpu.memory_space<hbm>> -> memref<288x8xf32, #tpu.memory_space<hbm>>
      tpu.enqueue_indirect_dma source(%dma_start3A_156 : memref<288x8xf32, #tpu.memory_space<hbm>>) target(%dma_start3A_151 : memref<512x8xf32, #tpu.memory_space<vmem>>) offsets(%dma_start3A_153 : memref<512xi32, #tpu.memory_space<vmem>>) semaphore(%arg30 : memref<!tpu.dma_semaphore, #tpu.memory_space<semaphore_mem>>)
      %dma_start3A_157 = arith.constant 512 : i32
      %dma_start3A_158 = arith.constant 0 : i32
      %dma_start3A_159 = tpu.memref_slice %arg24[%dma_start3A_157, %dma_start3A_158] : memref<2048x8xf32, #tpu.memory_space<vmem>> -> memref<512x8xf32, #tpu.memory_space<vmem>>
      %dma_start3A_160 = arith.constant 512 : i32
      %dma_start3A_161 = tpu.memref_slice %arg18[%dma_start3A_160] : memref<2048xi32, #tpu.memory_space<vmem>> -> memref<512xi32, #tpu.memory_space<vmem>>
      %dma_start3A_162 = arith.constant 0 : i32
      %dma_start3A_163 = arith.constant 0 : i32
      %dma_start3A_164 = tpu.memref_slice %arg5[%dma_start3A_162, %dma_start3A_163] : memref<288x8xf32, #tpu.memory_space<hbm>> -> memref<288x8xf32, #tpu.memory_space<hbm>>
      tpu.enqueue_indirect_dma source(%dma_start3A_164 : memref<288x8xf32, #tpu.memory_space<hbm>>) target(%dma_start3A_159 : memref<512x8xf32, #tpu.memory_space<vmem>>) offsets(%dma_start3A_161 : memref<512xi32, #tpu.memory_space<vmem>>) semaphore(%arg30 : memref<!tpu.dma_semaphore, #tpu.memory_space<semaphore_mem>>)
      %dma_start3A_165 = arith.constant 1024 : i32
      %dma_start3A_166 = arith.constant 0 : i32
      %dma_start3A_167 = tpu.memref_slice %arg24[%dma_start3A_165, %dma_start3A_166] : memref<2048x8xf32, #tpu.memory_space<vmem>> -> memref<512x8xf32, #tpu.memory_space<vmem>>
      %dma_start3A_168 = arith.constant 1024 : i32
      %dma_start3A_169 = tpu.memref_slice %arg18[%dma_start3A_168] : memref<2048xi32, #tpu.memory_space<vmem>> -> memref<512xi32, #tpu.memory_space<vmem>>
      %dma_start3A_170 = arith.constant 0 : i32
      %dma_start3A_171 = arith.constant 0 : i32
      %dma_start3A_172 = tpu.memref_slice %arg5[%dma_start3A_170, %dma_start3A_171] : memref<288x8xf32, #tpu.memory_space<hbm>> -> memref<288x8xf32, #tpu.memory_space<hbm>>
      tpu.enqueue_indirect_dma source(%dma_start3A_172 : memref<288x8xf32, #tpu.memory_space<hbm>>) target(%dma_start3A_167 : memref<512x8xf32, #tpu.memory_space<vmem>>) offsets(%dma_start3A_169 : memref<512xi32, #tpu.memory_space<vmem>>) semaphore(%arg30 : memref<!tpu.dma_semaphore, #tpu.memory_space<semaphore_mem>>)
      %dma_start3A_173 = arith.constant 1536 : i32
      %dma_start3A_174 = arith.constant 0 : i32
      %dma_start3A_175 = tpu.memref_slice %arg24[%dma_start3A_173, %dma_start3A_174] : memref<2048x8xf32, #tpu.memory_space<vmem>> -> memref<512x8xf32, #tpu.memory_space<vmem>>
      %dma_start3A_176 = arith.constant 1536 : i32
      %dma_start3A_177 = tpu.memref_slice %arg18[%dma_start3A_176] : memref<2048xi32, #tpu.memory_space<vmem>> -> memref<512xi32, #tpu.memory_space<vmem>>
      %dma_start3A_178 = arith.constant 0 : i32
      %dma_start3A_179 = arith.constant 0 : i32
      %dma_start3A_180 = tpu.memref_slice %arg5[%dma_start3A_178, %dma_start3A_179] : memref<288x8xf32, #tpu.memory_space<hbm>> -> memref<288x8xf32, #tpu.memory_space<hbm>>
      tpu.enqueue_indirect_dma source(%dma_start3A_180 : memref<288x8xf32, #tpu.memory_space<hbm>>) target(%dma_start3A_175 : memref<512x8xf32, #tpu.memory_space<vmem>>) offsets(%dma_start3A_177 : memref<512xi32, #tpu.memory_space<vmem>>) semaphore(%arg30 : memref<!tpu.dma_semaphore, #tpu.memory_space<semaphore_mem>>)
      %dma_start3A_181 = arith.constant 0 : i32
      %dma_start3A_182 = arith.constant 0 : i32
      %dma_start3A_183 = tpu.memref_slice %arg25[%dma_start3A_181, %dma_start3A_182] : memref<2048x8xf32, #tpu.memory_space<vmem>> -> memref<512x8xf32, #tpu.memory_space<vmem>>
      %dma_start3A_184 = arith.constant 0 : i32
      %dma_start3A_185 = tpu.memref_slice %arg19[%dma_start3A_184] : memref<2048xi32, #tpu.memory_space<vmem>> -> memref<512xi32, #tpu.memory_space<vmem>>
      %dma_start3A_186 = arith.constant 0 : i32
      %dma_start3A_187 = arith.constant 0 : i32
      %dma_start3A_188 = tpu.memref_slice %arg5[%dma_start3A_186, %dma_start3A_187] : memref<288x8xf32, #tpu.memory_space<hbm>> -> memref<288x8xf32, #tpu.memory_space<hbm>>
      tpu.enqueue_indirect_dma source(%dma_start3A_188 : memref<288x8xf32, #tpu.memory_space<hbm>>) target(%dma_start3A_183 : memref<512x8xf32, #tpu.memory_space<vmem>>) offsets(%dma_start3A_185 : memref<512xi32, #tpu.memory_space<vmem>>) semaphore(%arg31 : memref<!tpu.dma_semaphore, #tpu.memory_space<semaphore_mem>>)
      %dma_start3A_189 = arith.constant 512 : i32
      %dma_start3A_190 = arith.constant 0 : i32
      %dma_start3A_191 = tpu.memref_slice %arg25[%dma_start3A_189, %dma_start3A_190] : memref<2048x8xf32, #tpu.memory_space<vmem>> -> memref<512x8xf32, #tpu.memory_space<vmem>>
      %dma_start3A_192 = arith.constant 512 : i32
      %dma_start3A_193 = tpu.memref_slice %arg19[%dma_start3A_192] : memref<2048xi32, #tpu.memory_space<vmem>> -> memref<512xi32, #tpu.memory_space<vmem>>
      %dma_start3A_194 = arith.constant 0 : i32
      %dma_start3A_195 = arith.constant 0 : i32
      %dma_start3A_196 = tpu.memref_slice %arg5[%dma_start3A_194, %dma_start3A_195] : memref<288x8xf32, #tpu.memory_space<hbm>> -> memref<288x8xf32, #tpu.memory_space<hbm>>
      tpu.enqueue_indirect_dma source(%dma_start3A_196 : memref<288x8xf32, #tpu.memory_space<hbm>>) target(%dma_start3A_191 : memref<512x8xf32, #tpu.memory_space<vmem>>) offsets(%dma_start3A_193 : memref<512xi32, #tpu.memory_space<vmem>>) semaphore(%arg31 : memref<!tpu.dma_semaphore, #tpu.memory_space<semaphore_mem>>)
      %dma_start3A_197 = arith.constant 1024 : i32
      %dma_start3A_198 = arith.constant 0 : i32
      %dma_start3A_199 = tpu.memref_slice %arg25[%dma_start3A_197, %dma_start3A_198] : memref<2048x8xf32, #tpu.memory_space<vmem>> -> memref<512x8xf32, #tpu.memory_space<vmem>>
      %dma_start3A_200 = arith.constant 1024 : i32
      %dma_start3A_201 = tpu.memref_slice %arg19[%dma_start3A_200] : memref<2048xi32, #tpu.memory_space<vmem>> -> memref<512xi32, #tpu.memory_space<vmem>>
      %dma_start3A_202 = arith.constant 0 : i32
      %dma_start3A_203 = arith.constant 0 : i32
      %dma_start3A_204 = tpu.memref_slice %arg5[%dma_start3A_202, %dma_start3A_203] : memref<288x8xf32, #tpu.memory_space<hbm>> -> memref<288x8xf32, #tpu.memory_space<hbm>>
      tpu.enqueue_indirect_dma source(%dma_start3A_204 : memref<288x8xf32, #tpu.memory_space<hbm>>) target(%dma_start3A_199 : memref<512x8xf32, #tpu.memory_space<vmem>>) offsets(%dma_start3A_201 : memref<512xi32, #tpu.memory_space<vmem>>) semaphore(%arg31 : memref<!tpu.dma_semaphore, #tpu.memory_space<semaphore_mem>>)
      %dma_start3A_205 = arith.constant 1536 : i32
      %dma_start3A_206 = arith.constant 0 : i32
      %dma_start3A_207 = tpu.memref_slice %arg25[%dma_start3A_205, %dma_start3A_206] : memref<2048x8xf32, #tpu.memory_space<vmem>> -> memref<512x8xf32, #tpu.memory_space<vmem>>
      %dma_start3A_208 = arith.constant 1536 : i32
      %dma_start3A_209 = tpu.memref_slice %arg19[%dma_start3A_208] : memref<2048xi32, #tpu.memory_space<vmem>> -> memref<512xi32, #tpu.memory_space<vmem>>
      %dma_start3A_210 = arith.constant 0 : i32
      %dma_start3A_211 = arith.constant 0 : i32
      %dma_start3A_212 = tpu.memref_slice %arg5[%dma_start3A_210, %dma_start3A_211] : memref<288x8xf32, #tpu.memory_space<hbm>> -> memref<288x8xf32, #tpu.memory_space<hbm>>
      tpu.enqueue_indirect_dma source(%dma_start3A_212 : memref<288x8xf32, #tpu.memory_space<hbm>>) target(%dma_start3A_207 : memref<512x8xf32, #tpu.memory_space<vmem>>) offsets(%dma_start3A_209 : memref<512xi32, #tpu.memory_space<vmem>>) semaphore(%arg31 : memref<!tpu.dma_semaphore, #tpu.memory_space<semaphore_mem>>)
      %dma_wait3A = arith.constant 0 : i32
      %dma_wait3A_213 = arith.constant 0 : i32
      %dma_wait3A_214 = tpu.memref_slice %arg20[%dma_wait3A, %dma_wait3A_213] : memref<2048x8xf32, #tpu.memory_space<vmem>> -> memref<512x8xf32, #tpu.memory_space<vmem>>
      %dma_wait3A_215 = arith.constant 0 : i32
      %dma_wait3A_216 = tpu.memref_slice %arg14[%dma_wait3A_215] : memref<2048xi32, #tpu.memory_space<vmem>> -> memref<512xi32, #tpu.memory_space<vmem>>
      %dma_wait3A_217 = arith.constant 0 : i32
      %dma_wait3A_218 = arith.constant 0 : i32
      %dma_wait3A_219 = tpu.memref_slice %arg3[%dma_wait3A_217, %dma_wait3A_218] : memref<263168x8xf32, #tpu.memory_space<hbm>> -> memref<263168x8xf32, #tpu.memory_space<hbm>>
      tpu.wait_indirect_dma semaphore(%arg26 : memref<!tpu.dma_semaphore, #tpu.memory_space<semaphore_mem>>) src(%dma_wait3A_219 : memref<263168x8xf32, #tpu.memory_space<hbm>>) dst(%dma_wait3A_214 : memref<512x8xf32, #tpu.memory_space<vmem>>)
      %dma_wait3A_220 = arith.constant 512 : i32
      %dma_wait3A_221 = arith.constant 0 : i32
      %dma_wait3A_222 = tpu.memref_slice %arg20[%dma_wait3A_220, %dma_wait3A_221] : memref<2048x8xf32, #tpu.memory_space<vmem>> -> memref<512x8xf32, #tpu.memory_space<vmem>>
      %dma_wait3A_223 = arith.constant 512 : i32
      %dma_wait3A_224 = tpu.memref_slice %arg14[%dma_wait3A_223] : memref<2048xi32, #tpu.memory_space<vmem>> -> memref<512xi32, #tpu.memory_space<vmem>>
      %dma_wait3A_225 = arith.constant 0 : i32
      %dma_wait3A_226 = arith.constant 0 : i32
      %dma_wait3A_227 = tpu.memref_slice %arg3[%dma_wait3A_225, %dma_wait3A_226] : memref<263168x8xf32, #tpu.memory_space<hbm>> -> memref<263168x8xf32, #tpu.memory_space<hbm>>
      tpu.wait_indirect_dma semaphore(%arg26 : memref<!tpu.dma_semaphore, #tpu.memory_space<semaphore_mem>>) src(%dma_wait3A_227 : memref<263168x8xf32, #tpu.memory_space<hbm>>) dst(%dma_wait3A_222 : memref<512x8xf32, #tpu.memory_space<vmem>>)
      %dma_wait3A_228 = arith.constant 1024 : i32
      %dma_wait3A_229 = arith.constant 0 : i32
      %dma_wait3A_230 = tpu.memref_slice %arg20[%dma_wait3A_228, %dma_wait3A_229] : memref<2048x8xf32, #tpu.memory_space<vmem>> -> memref<512x8xf32, #tpu.memory_space<vmem>>
      %dma_wait3A_231 = arith.constant 1024 : i32
      %dma_wait3A_232 = tpu.memref_slice %arg14[%dma_wait3A_231] : memref<2048xi32, #tpu.memory_space<vmem>> -> memref<512xi32, #tpu.memory_space<vmem>>
      %dma_wait3A_233 = arith.constant 0 : i32
      %dma_wait3A_234 = arith.constant 0 : i32
      %dma_wait3A_235 = tpu.memref_slice %arg3[%dma_wait3A_233, %dma_wait3A_234] : memref<263168x8xf32, #tpu.memory_space<hbm>> -> memref<263168x8xf32, #tpu.memory_space<hbm>>
      tpu.wait_indirect_dma semaphore(%arg26 : memref<!tpu.dma_semaphore, #tpu.memory_space<semaphore_mem>>) src(%dma_wait3A_235 : memref<263168x8xf32, #tpu.memory_space<hbm>>) dst(%dma_wait3A_230 : memref<512x8xf32, #tpu.memory_space<vmem>>)
      %dma_wait3A_236 = arith.constant 1536 : i32
      %dma_wait3A_237 = arith.constant 0 : i32
      %dma_wait3A_238 = tpu.memref_slice %arg20[%dma_wait3A_236, %dma_wait3A_237] : memref<2048x8xf32, #tpu.memory_space<vmem>> -> memref<512x8xf32, #tpu.memory_space<vmem>>
      %dma_wait3A_239 = arith.constant 1536 : i32
      %dma_wait3A_240 = tpu.memref_slice %arg14[%dma_wait3A_239] : memref<2048xi32, #tpu.memory_space<vmem>> -> memref<512xi32, #tpu.memory_space<vmem>>
      %dma_wait3A_241 = arith.constant 0 : i32
      %dma_wait3A_242 = arith.constant 0 : i32
      %dma_wait3A_243 = tpu.memref_slice %arg3[%dma_wait3A_241, %dma_wait3A_242] : memref<263168x8xf32, #tpu.memory_space<hbm>> -> memref<263168x8xf32, #tpu.memory_space<hbm>>
      tpu.wait_indirect_dma semaphore(%arg26 : memref<!tpu.dma_semaphore, #tpu.memory_space<semaphore_mem>>) src(%dma_wait3A_243 : memref<263168x8xf32, #tpu.memory_space<hbm>>) dst(%dma_wait3A_238 : memref<512x8xf32, #tpu.memory_space<vmem>>)
      "tpu.region"() ({
        %run_scoped3A = tpu.sem_alloc : memref<!tpu.dma_semaphore, #tpu.memory_space<semaphore_mem>>
        %dma_start3A_404 = arith.constant 0 : i32
        %dma_start3A_405 = tpu.memref_slice %arg6[%add3A_11, %dma_start3A_404] : memref<524288x8xf32, #tpu.memory_space<hbm>> -> memref<2048x8xf32, #tpu.memory_space<hbm>>
        %dma_start3A_406 = arith.constant 0 : i32
        %dma_start3A_407 = tpu.memref_slice %arg6[%add3A_11, %dma_start3A_406] : memref<524288x8xf32, #tpu.memory_space<hbm>> -> memref<2048x8xf32, #tpu.memory_space<hbm>>
        tpu.enqueue_dma source(%arg20 : memref<2048x8xf32, #tpu.memory_space<vmem>>) target(%dma_start3A_407 : memref<2048x8xf32, #tpu.memory_space<hbm>>) target_semaphore(%run_scoped3A : memref<!tpu.dma_semaphore, #tpu.memory_space<semaphore_mem>>)
        %dma_wait3A_408 = arith.constant 0 : i32
        %dma_wait3A_409 = tpu.memref_slice %arg6[%add3A_11, %dma_wait3A_408] : memref<524288x8xf32, #tpu.memory_space<hbm>> -> memref<2048x8xf32, #tpu.memory_space<hbm>>
        %dma_wait3A_410 = arith.constant 0 : i32
        %dma_wait3A_411 = tpu.memref_slice %arg6[%add3A_11, %dma_wait3A_410] : memref<524288x8xf32, #tpu.memory_space<hbm>> -> memref<2048x8xf32, #tpu.memory_space<hbm>>
        tpu.wait_dma2 semaphore(%run_scoped3A : memref<!tpu.dma_semaphore, #tpu.memory_space<semaphore_mem>>) src(%arg20 : memref<2048x8xf32, #tpu.memory_space<vmem>>) dst(%dma_wait3A_411 : memref<2048x8xf32, #tpu.memory_space<hbm>>)
        tpu.yield
      }) : () -> ()
      %dma_wait3A_244 = arith.constant 0 : i32
      %dma_wait3A_245 = arith.constant 0 : i32
      %dma_wait3A_246 = tpu.memref_slice %arg21[%dma_wait3A_244, %dma_wait3A_245] : memref<2048x8xf32, #tpu.memory_space<vmem>> -> memref<512x8xf32, #tpu.memory_space<vmem>>
      %dma_wait3A_247 = arith.constant 0 : i32
      %dma_wait3A_248 = tpu.memref_slice %arg15[%dma_wait3A_247] : memref<2048xi32, #tpu.memory_space<vmem>> -> memref<512xi32, #tpu.memory_space<vmem>>
      %dma_wait3A_249 = arith.constant 0 : i32
      %dma_wait3A_250 = arith.constant 0 : i32
      %dma_wait3A_251 = tpu.memref_slice %arg3[%dma_wait3A_249, %dma_wait3A_250] : memref<263168x8xf32, #tpu.memory_space<hbm>> -> memref<263168x8xf32, #tpu.memory_space<hbm>>
      tpu.wait_indirect_dma semaphore(%arg27 : memref<!tpu.dma_semaphore, #tpu.memory_space<semaphore_mem>>) src(%dma_wait3A_251 : memref<263168x8xf32, #tpu.memory_space<hbm>>) dst(%dma_wait3A_246 : memref<512x8xf32, #tpu.memory_space<vmem>>)
      %dma_wait3A_252 = arith.constant 512 : i32
      %dma_wait3A_253 = arith.constant 0 : i32
      %dma_wait3A_254 = tpu.memref_slice %arg21[%dma_wait3A_252, %dma_wait3A_253] : memref<2048x8xf32, #tpu.memory_space<vmem>> -> memref<512x8xf32, #tpu.memory_space<vmem>>
      %dma_wait3A_255 = arith.constant 512 : i32
      %dma_wait3A_256 = tpu.memref_slice %arg15[%dma_wait3A_255] : memref<2048xi32, #tpu.memory_space<vmem>> -> memref<512xi32, #tpu.memory_space<vmem>>
      %dma_wait3A_257 = arith.constant 0 : i32
      %dma_wait3A_258 = arith.constant 0 : i32
      %dma_wait3A_259 = tpu.memref_slice %arg3[%dma_wait3A_257, %dma_wait3A_258] : memref<263168x8xf32, #tpu.memory_space<hbm>> -> memref<263168x8xf32, #tpu.memory_space<hbm>>
      tpu.wait_indirect_dma semaphore(%arg27 : memref<!tpu.dma_semaphore, #tpu.memory_space<semaphore_mem>>) src(%dma_wait3A_259 : memref<263168x8xf32, #tpu.memory_space<hbm>>) dst(%dma_wait3A_254 : memref<512x8xf32, #tpu.memory_space<vmem>>)
      %dma_wait3A_260 = arith.constant 1024 : i32
      %dma_wait3A_261 = arith.constant 0 : i32
      %dma_wait3A_262 = tpu.memref_slice %arg21[%dma_wait3A_260, %dma_wait3A_261] : memref<2048x8xf32, #tpu.memory_space<vmem>> -> memref<512x8xf32, #tpu.memory_space<vmem>>
      %dma_wait3A_263 = arith.constant 1024 : i32
      %dma_wait3A_264 = tpu.memref_slice %arg15[%dma_wait3A_263] : memref<2048xi32, #tpu.memory_space<vmem>> -> memref<512xi32, #tpu.memory_space<vmem>>
      %dma_wait3A_265 = arith.constant 0 : i32
      %dma_wait3A_266 = arith.constant 0 : i32
      %dma_wait3A_267 = tpu.memref_slice %arg3[%dma_wait3A_265, %dma_wait3A_266] : memref<263168x8xf32, #tpu.memory_space<hbm>> -> memref<263168x8xf32, #tpu.memory_space<hbm>>
      tpu.wait_indirect_dma semaphore(%arg27 : memref<!tpu.dma_semaphore, #tpu.memory_space<semaphore_mem>>) src(%dma_wait3A_267 : memref<263168x8xf32, #tpu.memory_space<hbm>>) dst(%dma_wait3A_262 : memref<512x8xf32, #tpu.memory_space<vmem>>)
      %dma_wait3A_268 = arith.constant 1536 : i32
      %dma_wait3A_269 = arith.constant 0 : i32
      %dma_wait3A_270 = tpu.memref_slice %arg21[%dma_wait3A_268, %dma_wait3A_269] : memref<2048x8xf32, #tpu.memory_space<vmem>> -> memref<512x8xf32, #tpu.memory_space<vmem>>
      %dma_wait3A_271 = arith.constant 1536 : i32
      %dma_wait3A_272 = tpu.memref_slice %arg15[%dma_wait3A_271] : memref<2048xi32, #tpu.memory_space<vmem>> -> memref<512xi32, #tpu.memory_space<vmem>>
      %dma_wait3A_273 = arith.constant 0 : i32
      %dma_wait3A_274 = arith.constant 0 : i32
      %dma_wait3A_275 = tpu.memref_slice %arg3[%dma_wait3A_273, %dma_wait3A_274] : memref<263168x8xf32, #tpu.memory_space<hbm>> -> memref<263168x8xf32, #tpu.memory_space<hbm>>
      tpu.wait_indirect_dma semaphore(%arg27 : memref<!tpu.dma_semaphore, #tpu.memory_space<semaphore_mem>>) src(%dma_wait3A_275 : memref<263168x8xf32, #tpu.memory_space<hbm>>) dst(%dma_wait3A_270 : memref<512x8xf32, #tpu.memory_space<vmem>>)
      "tpu.region"() ({
        %run_scoped3A = tpu.sem_alloc : memref<!tpu.dma_semaphore, #tpu.memory_space<semaphore_mem>>
        %dma_start3A_404 = arith.constant 0 : i32
        %dma_start3A_405 = tpu.memref_slice %arg7[%add3A_11, %dma_start3A_404] : memref<524288x8xf32, #tpu.memory_space<hbm>> -> memref<2048x8xf32, #tpu.memory_space<hbm>>
        %dma_start3A_406 = arith.constant 0 : i32
        %dma_start3A_407 = tpu.memref_slice %arg7[%add3A_11, %dma_start3A_406] : memref<524288x8xf32, #tpu.memory_space<hbm>> -> memref<2048x8xf32, #tpu.memory_space<hbm>>
        tpu.enqueue_dma source(%arg21 : memref<2048x8xf32, #tpu.memory_space<vmem>>) target(%dma_start3A_407 : memref<2048x8xf32, #tpu.memory_space<hbm>>) target_semaphore(%run_scoped3A : memref<!tpu.dma_semaphore, #tpu.memory_space<semaphore_mem>>)
        %dma_wait3A_408 = arith.constant 0 : i32
        %dma_wait3A_409 = tpu.memref_slice %arg7[%add3A_11, %dma_wait3A_408] : memref<524288x8xf32, #tpu.memory_space<hbm>> -> memref<2048x8xf32, #tpu.memory_space<hbm>>
        %dma_wait3A_410 = arith.constant 0 : i32
        %dma_wait3A_411 = tpu.memref_slice %arg7[%add3A_11, %dma_wait3A_410] : memref<524288x8xf32, #tpu.memory_space<hbm>> -> memref<2048x8xf32, #tpu.memory_space<hbm>>
        tpu.wait_dma2 semaphore(%run_scoped3A : memref<!tpu.dma_semaphore, #tpu.memory_space<semaphore_mem>>) src(%arg21 : memref<2048x8xf32, #tpu.memory_space<vmem>>) dst(%dma_wait3A_411 : memref<2048x8xf32, #tpu.memory_space<hbm>>)
        tpu.yield
      }) : () -> ()
      %dma_wait3A_276 = arith.constant 0 : i32
      %dma_wait3A_277 = arith.constant 0 : i32
      %dma_wait3A_278 = tpu.memref_slice %arg22[%dma_wait3A_276, %dma_wait3A_277] : memref<2048x8xf32, #tpu.memory_space<vmem>> -> memref<512x8xf32, #tpu.memory_space<vmem>>
      %dma_wait3A_279 = arith.constant 0 : i32
      %dma_wait3A_280 = tpu.memref_slice %arg16[%dma_wait3A_279] : memref<2048xi32, #tpu.memory_space<vmem>> -> memref<512xi32, #tpu.memory_space<vmem>>
      %dma_wait3A_281 = arith.constant 0 : i32
      %dma_wait3A_282 = arith.constant 0 : i32
      %dma_wait3A_283 = tpu.memref_slice %arg4[%dma_wait3A_281, %dma_wait3A_282] : memref<70144x8xf32, #tpu.memory_space<hbm>> -> memref<70144x8xf32, #tpu.memory_space<hbm>>
      tpu.wait_indirect_dma semaphore(%arg28 : memref<!tpu.dma_semaphore, #tpu.memory_space<semaphore_mem>>) src(%dma_wait3A_283 : memref<70144x8xf32, #tpu.memory_space<hbm>>) dst(%dma_wait3A_278 : memref<512x8xf32, #tpu.memory_space<vmem>>)
      %dma_wait3A_284 = arith.constant 512 : i32
      %dma_wait3A_285 = arith.constant 0 : i32
      %dma_wait3A_286 = tpu.memref_slice %arg22[%dma_wait3A_284, %dma_wait3A_285] : memref<2048x8xf32, #tpu.memory_space<vmem>> -> memref<512x8xf32, #tpu.memory_space<vmem>>
      %dma_wait3A_287 = arith.constant 512 : i32
      %dma_wait3A_288 = tpu.memref_slice %arg16[%dma_wait3A_287] : memref<2048xi32, #tpu.memory_space<vmem>> -> memref<512xi32, #tpu.memory_space<vmem>>
      %dma_wait3A_289 = arith.constant 0 : i32
      %dma_wait3A_290 = arith.constant 0 : i32
      %dma_wait3A_291 = tpu.memref_slice %arg4[%dma_wait3A_289, %dma_wait3A_290] : memref<70144x8xf32, #tpu.memory_space<hbm>> -> memref<70144x8xf32, #tpu.memory_space<hbm>>
      tpu.wait_indirect_dma semaphore(%arg28 : memref<!tpu.dma_semaphore, #tpu.memory_space<semaphore_mem>>) src(%dma_wait3A_291 : memref<70144x8xf32, #tpu.memory_space<hbm>>) dst(%dma_wait3A_286 : memref<512x8xf32, #tpu.memory_space<vmem>>)
      %dma_wait3A_292 = arith.constant 1024 : i32
      %dma_wait3A_293 = arith.constant 0 : i32
      %dma_wait3A_294 = tpu.memref_slice %arg22[%dma_wait3A_292, %dma_wait3A_293] : memref<2048x8xf32, #tpu.memory_space<vmem>> -> memref<512x8xf32, #tpu.memory_space<vmem>>
      %dma_wait3A_295 = arith.constant 1024 : i32
      %dma_wait3A_296 = tpu.memref_slice %arg16[%dma_wait3A_295] : memref<2048xi32, #tpu.memory_space<vmem>> -> memref<512xi32, #tpu.memory_space<vmem>>
      %dma_wait3A_297 = arith.constant 0 : i32
      %dma_wait3A_298 = arith.constant 0 : i32
      %dma_wait3A_299 = tpu.memref_slice %arg4[%dma_wait3A_297, %dma_wait3A_298] : memref<70144x8xf32, #tpu.memory_space<hbm>> -> memref<70144x8xf32, #tpu.memory_space<hbm>>
      tpu.wait_indirect_dma semaphore(%arg28 : memref<!tpu.dma_semaphore, #tpu.memory_space<semaphore_mem>>) src(%dma_wait3A_299 : memref<70144x8xf32, #tpu.memory_space<hbm>>) dst(%dma_wait3A_294 : memref<512x8xf32, #tpu.memory_space<vmem>>)
      %dma_wait3A_300 = arith.constant 1536 : i32
      %dma_wait3A_301 = arith.constant 0 : i32
      %dma_wait3A_302 = tpu.memref_slice %arg22[%dma_wait3A_300, %dma_wait3A_301] : memref<2048x8xf32, #tpu.memory_space<vmem>> -> memref<512x8xf32, #tpu.memory_space<vmem>>
      %dma_wait3A_303 = arith.constant 1536 : i32
      %dma_wait3A_304 = tpu.memref_slice %arg16[%dma_wait3A_303] : memref<2048xi32, #tpu.memory_space<vmem>> -> memref<512xi32, #tpu.memory_space<vmem>>
      %dma_wait3A_305 = arith.constant 0 : i32
      %dma_wait3A_306 = arith.constant 0 : i32
      %dma_wait3A_307 = tpu.memref_slice %arg4[%dma_wait3A_305, %dma_wait3A_306] : memref<70144x8xf32, #tpu.memory_space<hbm>> -> memref<70144x8xf32, #tpu.memory_space<hbm>>
      tpu.wait_indirect_dma semaphore(%arg28 : memref<!tpu.dma_semaphore, #tpu.memory_space<semaphore_mem>>) src(%dma_wait3A_307 : memref<70144x8xf32, #tpu.memory_space<hbm>>) dst(%dma_wait3A_302 : memref<512x8xf32, #tpu.memory_space<vmem>>)
      "tpu.region"() ({
        %run_scoped3A = tpu.sem_alloc : memref<!tpu.dma_semaphore, #tpu.memory_space<semaphore_mem>>
        %dma_start3A_404 = arith.constant 0 : i32
        %dma_start3A_405 = tpu.memref_slice %arg8[%add3A_11, %dma_start3A_404] : memref<524288x8xf32, #tpu.memory_space<hbm>> -> memref<2048x8xf32, #tpu.memory_space<hbm>>
        %dma_start3A_406 = arith.constant 0 : i32
        %dma_start3A_407 = tpu.memref_slice %arg8[%add3A_11, %dma_start3A_406] : memref<524288x8xf32, #tpu.memory_space<hbm>> -> memref<2048x8xf32, #tpu.memory_space<hbm>>
        tpu.enqueue_dma source(%arg22 : memref<2048x8xf32, #tpu.memory_space<vmem>>) target(%dma_start3A_407 : memref<2048x8xf32, #tpu.memory_space<hbm>>) target_semaphore(%run_scoped3A : memref<!tpu.dma_semaphore, #tpu.memory_space<semaphore_mem>>)
        %dma_wait3A_408 = arith.constant 0 : i32
        %dma_wait3A_409 = tpu.memref_slice %arg8[%add3A_11, %dma_wait3A_408] : memref<524288x8xf32, #tpu.memory_space<hbm>> -> memref<2048x8xf32, #tpu.memory_space<hbm>>
        %dma_wait3A_410 = arith.constant 0 : i32
        %dma_wait3A_411 = tpu.memref_slice %arg8[%add3A_11, %dma_wait3A_410] : memref<524288x8xf32, #tpu.memory_space<hbm>> -> memref<2048x8xf32, #tpu.memory_space<hbm>>
        tpu.wait_dma2 semaphore(%run_scoped3A : memref<!tpu.dma_semaphore, #tpu.memory_space<semaphore_mem>>) src(%arg22 : memref<2048x8xf32, #tpu.memory_space<vmem>>) dst(%dma_wait3A_411 : memref<2048x8xf32, #tpu.memory_space<hbm>>)
        tpu.yield
      }) : () -> ()
      %dma_wait3A_308 = arith.constant 0 : i32
      %dma_wait3A_309 = arith.constant 0 : i32
      %dma_wait3A_310 = tpu.memref_slice %arg23[%dma_wait3A_308, %dma_wait3A_309] : memref<2048x8xf32, #tpu.memory_space<vmem>> -> memref<512x8xf32, #tpu.memory_space<vmem>>
      %dma_wait3A_311 = arith.constant 0 : i32
      %dma_wait3A_312 = tpu.memref_slice %arg17[%dma_wait3A_311] : memref<2048xi32, #tpu.memory_space<vmem>> -> memref<512xi32, #tpu.memory_space<vmem>>
      %dma_wait3A_313 = arith.constant 0 : i32
      %dma_wait3A_314 = arith.constant 0 : i32
      %dma_wait3A_315 = tpu.memref_slice %arg4[%dma_wait3A_313, %dma_wait3A_314] : memref<70144x8xf32, #tpu.memory_space<hbm>> -> memref<70144x8xf32, #tpu.memory_space<hbm>>
      tpu.wait_indirect_dma semaphore(%arg29 : memref<!tpu.dma_semaphore, #tpu.memory_space<semaphore_mem>>) src(%dma_wait3A_315 : memref<70144x8xf32, #tpu.memory_space<hbm>>) dst(%dma_wait3A_310 : memref<512x8xf32, #tpu.memory_space<vmem>>)
      %dma_wait3A_316 = arith.constant 512 : i32
      %dma_wait3A_317 = arith.constant 0 : i32
      %dma_wait3A_318 = tpu.memref_slice %arg23[%dma_wait3A_316, %dma_wait3A_317] : memref<2048x8xf32, #tpu.memory_space<vmem>> -> memref<512x8xf32, #tpu.memory_space<vmem>>
      %dma_wait3A_319 = arith.constant 512 : i32
      %dma_wait3A_320 = tpu.memref_slice %arg17[%dma_wait3A_319] : memref<2048xi32, #tpu.memory_space<vmem>> -> memref<512xi32, #tpu.memory_space<vmem>>
      %dma_wait3A_321 = arith.constant 0 : i32
      %dma_wait3A_322 = arith.constant 0 : i32
      %dma_wait3A_323 = tpu.memref_slice %arg4[%dma_wait3A_321, %dma_wait3A_322] : memref<70144x8xf32, #tpu.memory_space<hbm>> -> memref<70144x8xf32, #tpu.memory_space<hbm>>
      tpu.wait_indirect_dma semaphore(%arg29 : memref<!tpu.dma_semaphore, #tpu.memory_space<semaphore_mem>>) src(%dma_wait3A_323 : memref<70144x8xf32, #tpu.memory_space<hbm>>) dst(%dma_wait3A_318 : memref<512x8xf32, #tpu.memory_space<vmem>>)
      %dma_wait3A_324 = arith.constant 1024 : i32
      %dma_wait3A_325 = arith.constant 0 : i32
      %dma_wait3A_326 = tpu.memref_slice %arg23[%dma_wait3A_324, %dma_wait3A_325] : memref<2048x8xf32, #tpu.memory_space<vmem>> -> memref<512x8xf32, #tpu.memory_space<vmem>>
      %dma_wait3A_327 = arith.constant 1024 : i32
      %dma_wait3A_328 = tpu.memref_slice %arg17[%dma_wait3A_327] : memref<2048xi32, #tpu.memory_space<vmem>> -> memref<512xi32, #tpu.memory_space<vmem>>
      %dma_wait3A_329 = arith.constant 0 : i32
      %dma_wait3A_330 = arith.constant 0 : i32
      %dma_wait3A_331 = tpu.memref_slice %arg4[%dma_wait3A_329, %dma_wait3A_330] : memref<70144x8xf32, #tpu.memory_space<hbm>> -> memref<70144x8xf32, #tpu.memory_space<hbm>>
      tpu.wait_indirect_dma semaphore(%arg29 : memref<!tpu.dma_semaphore, #tpu.memory_space<semaphore_mem>>) src(%dma_wait3A_331 : memref<70144x8xf32, #tpu.memory_space<hbm>>) dst(%dma_wait3A_326 : memref<512x8xf32, #tpu.memory_space<vmem>>)
      %dma_wait3A_332 = arith.constant 1536 : i32
      %dma_wait3A_333 = arith.constant 0 : i32
      %dma_wait3A_334 = tpu.memref_slice %arg23[%dma_wait3A_332, %dma_wait3A_333] : memref<2048x8xf32, #tpu.memory_space<vmem>> -> memref<512x8xf32, #tpu.memory_space<vmem>>
      %dma_wait3A_335 = arith.constant 1536 : i32
      %dma_wait3A_336 = tpu.memref_slice %arg17[%dma_wait3A_335] : memref<2048xi32, #tpu.memory_space<vmem>> -> memref<512xi32, #tpu.memory_space<vmem>>
      %dma_wait3A_337 = arith.constant 0 : i32
      %dma_wait3A_338 = arith.constant 0 : i32
      %dma_wait3A_339 = tpu.memref_slice %arg4[%dma_wait3A_337, %dma_wait3A_338] : memref<70144x8xf32, #tpu.memory_space<hbm>> -> memref<70144x8xf32, #tpu.memory_space<hbm>>
      tpu.wait_indirect_dma semaphore(%arg29 : memref<!tpu.dma_semaphore, #tpu.memory_space<semaphore_mem>>) src(%dma_wait3A_339 : memref<70144x8xf32, #tpu.memory_space<hbm>>) dst(%dma_wait3A_334 : memref<512x8xf32, #tpu.memory_space<vmem>>)
      "tpu.region"() ({
        %run_scoped3A = tpu.sem_alloc : memref<!tpu.dma_semaphore, #tpu.memory_space<semaphore_mem>>
        %dma_start3A_404 = arith.constant 0 : i32
        %dma_start3A_405 = tpu.memref_slice %arg9[%add3A_11, %dma_start3A_404] : memref<524288x8xf32, #tpu.memory_space<hbm>> -> memref<2048x8xf32, #tpu.memory_space<hbm>>
        %dma_start3A_406 = arith.constant 0 : i32
        %dma_start3A_407 = tpu.memref_slice %arg9[%add3A_11, %dma_start3A_406] : memref<524288x8xf32, #tpu.memory_space<hbm>> -> memref<2048x8xf32, #tpu.memory_space<hbm>>
        tpu.enqueue_dma source(%arg23 : memref<2048x8xf32, #tpu.memory_space<vmem>>) target(%dma_start3A_407 : memref<2048x8xf32, #tpu.memory_space<hbm>>) target_semaphore(%run_scoped3A : memref<!tpu.dma_semaphore, #tpu.memory_space<semaphore_mem>>)
        %dma_wait3A_408 = arith.constant 0 : i32
        %dma_wait3A_409 = tpu.memref_slice %arg9[%add3A_11, %dma_wait3A_408] : memref<524288x8xf32, #tpu.memory_space<hbm>> -> memref<2048x8xf32, #tpu.memory_space<hbm>>
        %dma_wait3A_410 = arith.constant 0 : i32
        %dma_wait3A_411 = tpu.memref_slice %arg9[%add3A_11, %dma_wait3A_410] : memref<524288x8xf32, #tpu.memory_space<hbm>> -> memref<2048x8xf32, #tpu.memory_space<hbm>>
        tpu.wait_dma2 semaphore(%run_scoped3A : memref<!tpu.dma_semaphore, #tpu.memory_space<semaphore_mem>>) src(%arg23 : memref<2048x8xf32, #tpu.memory_space<vmem>>) dst(%dma_wait3A_411 : memref<2048x8xf32, #tpu.memory_space<hbm>>)
        tpu.yield
      }) : () -> ()
      %dma_wait3A_340 = arith.constant 0 : i32
      %dma_wait3A_341 = arith.constant 0 : i32
      %dma_wait3A_342 = tpu.memref_slice %arg24[%dma_wait3A_340, %dma_wait3A_341] : memref<2048x8xf32, #tpu.memory_space<vmem>> -> memref<512x8xf32, #tpu.memory_space<vmem>>
      %dma_wait3A_343 = arith.constant 0 : i32
      %dma_wait3A_344 = tpu.memref_slice %arg18[%dma_wait3A_343] : memref<2048xi32, #tpu.memory_space<vmem>> -> memref<512xi32, #tpu.memory_space<vmem>>
      %dma_wait3A_345 = arith.constant 0 : i32
      %dma_wait3A_346 = arith.constant 0 : i32
      %dma_wait3A_347 = tpu.memref_slice %arg5[%dma_wait3A_345, %dma_wait3A_346] : memref<288x8xf32, #tpu.memory_space<hbm>> -> memref<288x8xf32, #tpu.memory_space<hbm>>
      tpu.wait_indirect_dma semaphore(%arg30 : memref<!tpu.dma_semaphore, #tpu.memory_space<semaphore_mem>>) src(%dma_wait3A_347 : memref<288x8xf32, #tpu.memory_space<hbm>>) dst(%dma_wait3A_342 : memref<512x8xf32, #tpu.memory_space<vmem>>)
      %dma_wait3A_348 = arith.constant 512 : i32
      %dma_wait3A_349 = arith.constant 0 : i32
      %dma_wait3A_350 = tpu.memref_slice %arg24[%dma_wait3A_348, %dma_wait3A_349] : memref<2048x8xf32, #tpu.memory_space<vmem>> -> memref<512x8xf32, #tpu.memory_space<vmem>>
      %dma_wait3A_351 = arith.constant 512 : i32
      %dma_wait3A_352 = tpu.memref_slice %arg18[%dma_wait3A_351] : memref<2048xi32, #tpu.memory_space<vmem>> -> memref<512xi32, #tpu.memory_space<vmem>>
      %dma_wait3A_353 = arith.constant 0 : i32
      %dma_wait3A_354 = arith.constant 0 : i32
      %dma_wait3A_355 = tpu.memref_slice %arg5[%dma_wait3A_353, %dma_wait3A_354] : memref<288x8xf32, #tpu.memory_space<hbm>> -> memref<288x8xf32, #tpu.memory_space<hbm>>
      tpu.wait_indirect_dma semaphore(%arg30 : memref<!tpu.dma_semaphore, #tpu.memory_space<semaphore_mem>>) src(%dma_wait3A_355 : memref<288x8xf32, #tpu.memory_space<hbm>>) dst(%dma_wait3A_350 : memref<512x8xf32, #tpu.memory_space<vmem>>)
      %dma_wait3A_356 = arith.constant 1024 : i32
      %dma_wait3A_357 = arith.constant 0 : i32
      %dma_wait3A_358 = tpu.memref_slice %arg24[%dma_wait3A_356, %dma_wait3A_357] : memref<2048x8xf32, #tpu.memory_space<vmem>> -> memref<512x8xf32, #tpu.memory_space<vmem>>
      %dma_wait3A_359 = arith.constant 1024 : i32
      %dma_wait3A_360 = tpu.memref_slice %arg18[%dma_wait3A_359] : memref<2048xi32, #tpu.memory_space<vmem>> -> memref<512xi32, #tpu.memory_space<vmem>>
      %dma_wait3A_361 = arith.constant 0 : i32
      %dma_wait3A_362 = arith.constant 0 : i32
      %dma_wait3A_363 = tpu.memref_slice %arg5[%dma_wait3A_361, %dma_wait3A_362] : memref<288x8xf32, #tpu.memory_space<hbm>> -> memref<288x8xf32, #tpu.memory_space<hbm>>
      tpu.wait_indirect_dma semaphore(%arg30 : memref<!tpu.dma_semaphore, #tpu.memory_space<semaphore_mem>>) src(%dma_wait3A_363 : memref<288x8xf32, #tpu.memory_space<hbm>>) dst(%dma_wait3A_358 : memref<512x8xf32, #tpu.memory_space<vmem>>)
      %dma_wait3A_364 = arith.constant 1536 : i32
      %dma_wait3A_365 = arith.constant 0 : i32
      %dma_wait3A_366 = tpu.memref_slice %arg24[%dma_wait3A_364, %dma_wait3A_365] : memref<2048x8xf32, #tpu.memory_space<vmem>> -> memref<512x8xf32, #tpu.memory_space<vmem>>
      %dma_wait3A_367 = arith.constant 1536 : i32
      %dma_wait3A_368 = tpu.memref_slice %arg18[%dma_wait3A_367] : memref<2048xi32, #tpu.memory_space<vmem>> -> memref<512xi32, #tpu.memory_space<vmem>>
      %dma_wait3A_369 = arith.constant 0 : i32
      %dma_wait3A_370 = arith.constant 0 : i32
      %dma_wait3A_371 = tpu.memref_slice %arg5[%dma_wait3A_369, %dma_wait3A_370] : memref<288x8xf32, #tpu.memory_space<hbm>> -> memref<288x8xf32, #tpu.memory_space<hbm>>
      tpu.wait_indirect_dma semaphore(%arg30 : memref<!tpu.dma_semaphore, #tpu.memory_space<semaphore_mem>>) src(%dma_wait3A_371 : memref<288x8xf32, #tpu.memory_space<hbm>>) dst(%dma_wait3A_366 : memref<512x8xf32, #tpu.memory_space<vmem>>)
      "tpu.region"() ({
        %run_scoped3A = tpu.sem_alloc : memref<!tpu.dma_semaphore, #tpu.memory_space<semaphore_mem>>
        %dma_start3A_404 = arith.constant 0 : i32
        %dma_start3A_405 = tpu.memref_slice %arg10[%add3A_11, %dma_start3A_404] : memref<524288x8xf32, #tpu.memory_space<hbm>> -> memref<2048x8xf32, #tpu.memory_space<hbm>>
        %dma_start3A_406 = arith.constant 0 : i32
        %dma_start3A_407 = tpu.memref_slice %arg10[%add3A_11, %dma_start3A_406] : memref<524288x8xf32, #tpu.memory_space<hbm>> -> memref<2048x8xf32, #tpu.memory_space<hbm>>
        tpu.enqueue_dma source(%arg24 : memref<2048x8xf32, #tpu.memory_space<vmem>>) target(%dma_start3A_407 : memref<2048x8xf32, #tpu.memory_space<hbm>>) target_semaphore(%run_scoped3A : memref<!tpu.dma_semaphore, #tpu.memory_space<semaphore_mem>>)
        %dma_wait3A_408 = arith.constant 0 : i32
        %dma_wait3A_409 = tpu.memref_slice %arg10[%add3A_11, %dma_wait3A_408] : memref<524288x8xf32, #tpu.memory_space<hbm>> -> memref<2048x8xf32, #tpu.memory_space<hbm>>
        %dma_wait3A_410 = arith.constant 0 : i32
        %dma_wait3A_411 = tpu.memref_slice %arg10[%add3A_11, %dma_wait3A_410] : memref<524288x8xf32, #tpu.memory_space<hbm>> -> memref<2048x8xf32, #tpu.memory_space<hbm>>
        tpu.wait_dma2 semaphore(%run_scoped3A : memref<!tpu.dma_semaphore, #tpu.memory_space<semaphore_mem>>) src(%arg24 : memref<2048x8xf32, #tpu.memory_space<vmem>>) dst(%dma_wait3A_411 : memref<2048x8xf32, #tpu.memory_space<hbm>>)
        tpu.yield
      }) : () -> ()
      %dma_wait3A_372 = arith.constant 0 : i32
      %dma_wait3A_373 = arith.constant 0 : i32
      %dma_wait3A_374 = tpu.memref_slice %arg25[%dma_wait3A_372, %dma_wait3A_373] : memref<2048x8xf32, #tpu.memory_space<vmem>> -> memref<512x8xf32, #tpu.memory_space<vmem>>
      %dma_wait3A_375 = arith.constant 0 : i32
      %dma_wait3A_376 = tpu.memref_slice %arg19[%dma_wait3A_375] : memref<2048xi32, #tpu.memory_space<vmem>> -> memref<512xi32, #tpu.memory_space<vmem>>
      %dma_wait3A_377 = arith.constant 0 : i32
      %dma_wait3A_378 = arith.constant 0 : i32
      %dma_wait3A_379 = tpu.memref_slice %arg5[%dma_wait3A_377, %dma_wait3A_378] : memref<288x8xf32, #tpu.memory_space<hbm>> -> memref<288x8xf32, #tpu.memory_space<hbm>>
      tpu.wait_indirect_dma semaphore(%arg31 : memref<!tpu.dma_semaphore, #tpu.memory_space<semaphore_mem>>) src(%dma_wait3A_379 : memref<288x8xf32, #tpu.memory_space<hbm>>) dst(%dma_wait3A_374 : memref<512x8xf32, #tpu.memory_space<vmem>>)
      %dma_wait3A_380 = arith.constant 512 : i32
      %dma_wait3A_381 = arith.constant 0 : i32
      %dma_wait3A_382 = tpu.memref_slice %arg25[%dma_wait3A_380, %dma_wait3A_381] : memref<2048x8xf32, #tpu.memory_space<vmem>> -> memref<512x8xf32, #tpu.memory_space<vmem>>
      %dma_wait3A_383 = arith.constant 512 : i32
      %dma_wait3A_384 = tpu.memref_slice %arg19[%dma_wait3A_383] : memref<2048xi32, #tpu.memory_space<vmem>> -> memref<512xi32, #tpu.memory_space<vmem>>
      %dma_wait3A_385 = arith.constant 0 : i32
      %dma_wait3A_386 = arith.constant 0 : i32
      %dma_wait3A_387 = tpu.memref_slice %arg5[%dma_wait3A_385, %dma_wait3A_386] : memref<288x8xf32, #tpu.memory_space<hbm>> -> memref<288x8xf32, #tpu.memory_space<hbm>>
      tpu.wait_indirect_dma semaphore(%arg31 : memref<!tpu.dma_semaphore, #tpu.memory_space<semaphore_mem>>) src(%dma_wait3A_387 : memref<288x8xf32, #tpu.memory_space<hbm>>) dst(%dma_wait3A_382 : memref<512x8xf32, #tpu.memory_space<vmem>>)
      %dma_wait3A_388 = arith.constant 1024 : i32
      %dma_wait3A_389 = arith.constant 0 : i32
      %dma_wait3A_390 = tpu.memref_slice %arg25[%dma_wait3A_388, %dma_wait3A_389] : memref<2048x8xf32, #tpu.memory_space<vmem>> -> memref<512x8xf32, #tpu.memory_space<vmem>>
      %dma_wait3A_391 = arith.constant 1024 : i32
      %dma_wait3A_392 = tpu.memref_slice %arg19[%dma_wait3A_391] : memref<2048xi32, #tpu.memory_space<vmem>> -> memref<512xi32, #tpu.memory_space<vmem>>
      %dma_wait3A_393 = arith.constant 0 : i32
      %dma_wait3A_394 = arith.constant 0 : i32
      %dma_wait3A_395 = tpu.memref_slice %arg5[%dma_wait3A_393, %dma_wait3A_394] : memref<288x8xf32, #tpu.memory_space<hbm>> -> memref<288x8xf32, #tpu.memory_space<hbm>>
      tpu.wait_indirect_dma semaphore(%arg31 : memref<!tpu.dma_semaphore, #tpu.memory_space<semaphore_mem>>) src(%dma_wait3A_395 : memref<288x8xf32, #tpu.memory_space<hbm>>) dst(%dma_wait3A_390 : memref<512x8xf32, #tpu.memory_space<vmem>>)
      %dma_wait3A_396 = arith.constant 1536 : i32
      %dma_wait3A_397 = arith.constant 0 : i32
      %dma_wait3A_398 = tpu.memref_slice %arg25[%dma_wait3A_396, %dma_wait3A_397] : memref<2048x8xf32, #tpu.memory_space<vmem>> -> memref<512x8xf32, #tpu.memory_space<vmem>>
      %dma_wait3A_399 = arith.constant 1536 : i32
      %dma_wait3A_400 = tpu.memref_slice %arg19[%dma_wait3A_399] : memref<2048xi32, #tpu.memory_space<vmem>> -> memref<512xi32, #tpu.memory_space<vmem>>
      %dma_wait3A_401 = arith.constant 0 : i32
      %dma_wait3A_402 = arith.constant 0 : i32
      %dma_wait3A_403 = tpu.memref_slice %arg5[%dma_wait3A_401, %dma_wait3A_402] : memref<288x8xf32, #tpu.memory_space<hbm>> -> memref<288x8xf32, #tpu.memory_space<hbm>>
      tpu.wait_indirect_dma semaphore(%arg31 : memref<!tpu.dma_semaphore, #tpu.memory_space<semaphore_mem>>) src(%dma_wait3A_403 : memref<288x8xf32, #tpu.memory_space<hbm>>) dst(%dma_wait3A_398 : memref<512x8xf32, #tpu.memory_space<vmem>>)
      "tpu.region"() ({
        %run_scoped3A = tpu.sem_alloc : memref<!tpu.dma_semaphore, #tpu.memory_space<semaphore_mem>>
        %dma_start3A_404 = arith.constant 0 : i32
        %dma_start3A_405 = tpu.memref_slice %arg11[%add3A_11, %dma_start3A_404] : memref<524288x8xf32, #tpu.memory_space<hbm>> -> memref<2048x8xf32, #tpu.memory_space<hbm>>
        %dma_start3A_406 = arith.constant 0 : i32
        %dma_start3A_407 = tpu.memref_slice %arg11[%add3A_11, %dma_start3A_406] : memref<524288x8xf32, #tpu.memory_space<hbm>> -> memref<2048x8xf32, #tpu.memory_space<hbm>>
        tpu.enqueue_dma source(%arg25 : memref<2048x8xf32, #tpu.memory_space<vmem>>) target(%dma_start3A_407 : memref<2048x8xf32, #tpu.memory_space<hbm>>) target_semaphore(%run_scoped3A : memref<!tpu.dma_semaphore, #tpu.memory_space<semaphore_mem>>)
        %dma_wait3A_408 = arith.constant 0 : i32
        %dma_wait3A_409 = tpu.memref_slice %arg11[%add3A_11, %dma_wait3A_408] : memref<524288x8xf32, #tpu.memory_space<hbm>> -> memref<2048x8xf32, #tpu.memory_space<hbm>>
        %dma_wait3A_410 = arith.constant 0 : i32
        %dma_wait3A_411 = tpu.memref_slice %arg11[%add3A_11, %dma_wait3A_410] : memref<524288x8xf32, #tpu.memory_space<hbm>> -> memref<2048x8xf32, #tpu.memory_space<hbm>>
        tpu.wait_dma2 semaphore(%run_scoped3A : memref<!tpu.dma_semaphore, #tpu.memory_space<semaphore_mem>>) src(%arg25 : memref<2048x8xf32, #tpu.memory_space<vmem>>) dst(%dma_wait3A_411 : memref<2048x8xf32, #tpu.memory_space<hbm>>)
        tpu.yield
      }) : () -> ()
    }
    %scan3A_5 = arith.constant 8 : i32
    return
  }
}

module attributes {stable_mosaic.version = 14 : i64} {
  func.func @_table_body(%arg0: i32, %arg1: i32, %arg2: memref<2192x128xf32, #tpu.memory_space<vmem>>, %arg3: memref<2192x128xf32, #tpu.memory_space<vmem>>, %arg4: memref<2192x128xf32, #tpu.memory_space<vmem>>) attributes {dimension_semantics = [#tpu.dimension_semantics<arbitrary>, #tpu.dimension_semantics<arbitrary>], iteration_bounds = array<i64: 2, 1>, scalar_prefetch = 0 : i64, scratch_operands = 0 : i64, tpu.core_type = #tpu.core_type<tc>, window_params = [{transform_indices = @transform_0, window_bounds = array<i64: 2192, 128>}, {transform_indices = @transform_1, window_bounds = array<i64: 2192, 128>}, {transform_indices = @transform_2, window_bounds = array<i64: 2192, 128>}]} {
    %get3A = arith.constant 0 : index
    %get3A_0 = arith.constant 0 : index
    %get3A_1 = vector.load %arg2[%get3A, %get3A_0] : memref<2192x128xf32, #tpu.memory_space<vmem>>, vector<2192x128xf32>
    %eq3A = arith.constant 0 : i32
    %eq3A_2 = arith.cmpi eq, %arg0, %eq3A : i32
    %convert_element_type3A = arith.extui %eq3A_2 : i1 to i32
    %cond3A = arith.constant 0 : i32
    %cond3A_3 = arith.cmpi ne, %convert_element_type3A, %cond3A : i32
    scf.if %cond3A_3 {
      %swap3A = arith.constant 0 : index
      %swap3A_9 = arith.constant 0 : index
      %swap3A_10 = vector.load %arg4[%swap3A, %swap3A_9] : memref<2192x128xf32, #tpu.memory_space<vmem>>, vector<2192x128xf32>
      tpu.vector_store %arg4[%swap3A, %swap3A_9], %get3A_1 {strides = array<i32>} : memref<2192x128xf32, #tpu.memory_space<vmem>>, vector<2192x128xf32>,
    } else {
    }
    %eq3A_4 = arith.constant 1 : i32
    %eq3A_5 = arith.cmpi eq, %arg0, %eq3A_4 : i32
    %convert_element_type3A_6 = arith.extui %eq3A_5 : i1 to i32
    %cond3A_7 = arith.constant 0 : i32
    %cond3A_8 = arith.cmpi ne, %convert_element_type3A_6, %cond3A_7 : i32
    scf.if %cond3A_8 {
      %get3A_9 = arith.constant 0 : index
      %get3A_10 = arith.constant 0 : index
      %get3A_11 = vector.load %arg3[%get3A_9, %get3A_10] : memref<2192x128xf32, #tpu.memory_space<vmem>>, vector<2192x128xf32>
      %slice3A = vector.extract_strided_slice %get3A_1 {offsets = [1, 0], sizes = [2191, 128], strides = [1, 1]} : vector<2192x128xf32> to vector<2191x128xf32>
      %slice3A_12 = vector.extract_strided_slice %get3A_11 {offsets = [0, 0], sizes = [1, 128], strides = [1, 1]} : vector<2192x128xf32> to vector<1x128xf32>
      %concatenate3A = tpu.concatenate %slice3A, %slice3A_12 in 0 : vector<2191x128xf32>, vector<1x128xf32> -> vector<2192x128xf32>
      %slice3A_13 = vector.extract_strided_slice %get3A_1 {offsets = [0, 4], sizes = [2192, 124], strides = [1, 1]} : vector<2192x128xf32> to vector<2192x124xf32>
      %slice3A_14 = vector.extract_strided_slice %concatenate3A {offsets = [0, 0], sizes = [2192, 4], strides = [1, 1]} : vector<2192x128xf32> to vector<2192x4xf32>
      %concatenate3A_15 = tpu.concatenate %slice3A_13, %slice3A_14 in 1 : vector<2192x124xf32>, vector<2192x4xf32> -> vector<2192x128xf32>
      %swap3A = arith.constant 0 : index
      %swap3A_16 = arith.constant 0 : index
      %swap3A_17 = vector.load %arg4[%swap3A, %swap3A_16] : memref<2192x128xf32, #tpu.memory_space<vmem>>, vector<2192x128xf32>
      tpu.vector_store %arg4[%swap3A, %swap3A_16], %concatenate3A_15 {strides = array<i32>} : memref<2192x128xf32, #tpu.memory_space<vmem>>, vector<2192x128xf32>,
    } else {
    }
    return
  }
  func.func @transform_0(%arg0: i32, %arg1: i32) -> (i32, i32) {
    %c0_i32 = arith.constant 0 : i32
    %c0_i32_0 = arith.constant 0 : i32
    return %arg1, %c0_i32 : i32, i32
  }
  func.func @transform_1(%arg0: i32, %arg1: i32) -> (i32, i32) {
    %add3A = arith.constant 1 : i32
    %add3A_0 = arith.addi %arg1, %add3A : i32
    %c0_i32 = arith.constant 0 : i32
    %c0_i32_1 = arith.constant 0 : i32
    return %add3A_0, %c0_i32 : i32, i32
  }
  func.func @transform_2(%arg0: i32, %arg1: i32) -> (i32, i32) {
    %mul3A = arith.constant 1 : i32
    %mul3A_0 = arith.muli %arg0, %mul3A : i32
    %add3A = arith.addi %mul3A_0, %arg1 : i32
    %c0_i32 = arith.constant 0 : i32
    %c0_i32_1 = arith.constant 0 : i32
    return %add3A, %c0_i32 : i32, i32
  }
}

module attributes {stable_mosaic.version = 14 : i64} {
  func.func @_table_body(%arg0: i32, %arg1: i32, %arg2: memref<2056x128xf32, #tpu.memory_space<vmem>>, %arg3: memref<2056x128xf32, #tpu.memory_space<vmem>>, %arg4: memref<2056x128xf32, #tpu.memory_space<vmem>>) attributes {dimension_semantics = [#tpu.dimension_semantics<arbitrary>, #tpu.dimension_semantics<arbitrary>], iteration_bounds = array<i64: 2, 4>, scalar_prefetch = 0 : i64, scratch_operands = 0 : i64, tpu.core_type = #tpu.core_type<tc>, window_params = [{transform_indices = @transform_0, window_bounds = array<i64: 2056, 128>}, {transform_indices = @transform_1, window_bounds = array<i64: 2056, 128>}, {transform_indices = @transform_2, window_bounds = array<i64: 2056, 128>}]} {
    %get3A = arith.constant 0 : index
    %get3A_0 = arith.constant 0 : index
    %get3A_1 = vector.load %arg2[%get3A, %get3A_0] : memref<2056x128xf32, #tpu.memory_space<vmem>>, vector<2056x128xf32>
    %eq3A = arith.constant 0 : i32
    %eq3A_2 = arith.cmpi eq, %arg0, %eq3A : i32
    %convert_element_type3A = arith.extui %eq3A_2 : i1 to i32
    %cond3A = arith.constant 0 : i32
    %cond3A_3 = arith.cmpi ne, %convert_element_type3A, %cond3A : i32
    scf.if %cond3A_3 {
      %swap3A = arith.constant 0 : index
      %swap3A_9 = arith.constant 0 : index
      %swap3A_10 = vector.load %arg4[%swap3A, %swap3A_9] : memref<2056x128xf32, #tpu.memory_space<vmem>>, vector<2056x128xf32>
      tpu.vector_store %arg4[%swap3A, %swap3A_9], %get3A_1 {strides = array<i32>} : memref<2056x128xf32, #tpu.memory_space<vmem>>, vector<2056x128xf32>,
    } else {
    }
    %eq3A_4 = arith.constant 1 : i32
    %eq3A_5 = arith.cmpi eq, %arg0, %eq3A_4 : i32
    %convert_element_type3A_6 = arith.extui %eq3A_5 : i1 to i32
    %cond3A_7 = arith.constant 0 : i32
    %cond3A_8 = arith.cmpi ne, %convert_element_type3A_6, %cond3A_7 : i32
    scf.if %cond3A_8 {
      %get3A_9 = arith.constant 0 : index
      %get3A_10 = arith.constant 0 : index
      %get3A_11 = vector.load %arg3[%get3A_9, %get3A_10] : memref<2056x128xf32, #tpu.memory_space<vmem>>, vector<2056x128xf32>
      %slice3A = vector.extract_strided_slice %get3A_1 {offsets = [1, 0], sizes = [2055, 128], strides = [1, 1]} : vector<2056x128xf32> to vector<2055x128xf32>
      %slice3A_12 = vector.extract_strided_slice %get3A_11 {offsets = [0, 0], sizes = [1, 128], strides = [1, 1]} : vector<2056x128xf32> to vector<1x128xf32>
      %concatenate3A = tpu.concatenate %slice3A, %slice3A_12 in 0 : vector<2055x128xf32>, vector<1x128xf32> -> vector<2056x128xf32>
      %slice3A_13 = vector.extract_strided_slice %get3A_1 {offsets = [0, 4], sizes = [2056, 124], strides = [1, 1]} : vector<2056x128xf32> to vector<2056x124xf32>
      %slice3A_14 = vector.extract_strided_slice %concatenate3A {offsets = [0, 0], sizes = [2056, 4], strides = [1, 1]} : vector<2056x128xf32> to vector<2056x4xf32>
      %concatenate3A_15 = tpu.concatenate %slice3A_13, %slice3A_14 in 1 : vector<2056x124xf32>, vector<2056x4xf32> -> vector<2056x128xf32>
      %swap3A = arith.constant 0 : index
      %swap3A_16 = arith.constant 0 : index
      %swap3A_17 = vector.load %arg4[%swap3A, %swap3A_16] : memref<2056x128xf32, #tpu.memory_space<vmem>>, vector<2056x128xf32>
      tpu.vector_store %arg4[%swap3A, %swap3A_16], %concatenate3A_15 {strides = array<i32>} : memref<2056x128xf32, #tpu.memory_space<vmem>>, vector<2056x128xf32>,
    } else {
    }
    return
  }
  func.func @transform_0(%arg0: i32, %arg1: i32) -> (i32, i32) {
    %c0_i32 = arith.constant 0 : i32
    %c0_i32_0 = arith.constant 0 : i32
    return %arg1, %c0_i32 : i32, i32
  }
  func.func @transform_1(%arg0: i32, %arg1: i32) -> (i32, i32) {
    %add3A = arith.constant 1 : i32
    %add3A_0 = arith.addi %arg1, %add3A : i32
    %c0_i32 = arith.constant 0 : i32
    %c0_i32_1 = arith.constant 0 : i32
    return %add3A_0, %c0_i32 : i32, i32
  }
  func.func @transform_2(%arg0: i32, %arg1: i32) -> (i32, i32) {
    %mul3A = arith.constant 4 : i32
    %mul3A_0 = arith.muli %arg0, %mul3A : i32
    %add3A = arith.addi %mul3A_0, %arg1 : i32
    %c0_i32 = arith.constant 0 : i32
    %c0_i32_1 = arith.constant 0 : i32
    return %add3A, %c0_i32 : i32, i32
  }
}

module attributes {stable_mosaic.version = 14 : i64} {
  func.func @_tc_body(%arg0: i32, %arg1: memref<1024x64xf32, #tpu.memory_space<vmem>>, %arg2: memref<1024x64xf32, #tpu.memory_space<vmem>>, %arg3: memref<1024x64xf32, #tpu.memory_space<vmem>>, %arg4: memref<1024x64xf32, #tpu.memory_space<vmem>>, %arg5: memref<1024x64xf32, #tpu.memory_space<vmem>>, %arg6: memref<1024x64xf32, #tpu.memory_space<vmem>>, %arg7: memref<1024x8xf32, #tpu.memory_space<vmem>>, %arg8: memref<1024x8xf32, #tpu.memory_space<vmem>>, %arg9: memref<1024x8xf32, #tpu.memory_space<vmem>>, %arg10: memref<8x64xf32, #tpu.memory_space<vmem>>, %arg11: memref<64x512xf32, #tpu.memory_space<vmem>>, %arg12: memref<64x512xf32, #tpu.memory_space<vmem>>, %arg13: memref<64x512xf32, #tpu.memory_space<vmem>>, %arg14: memref<8x512xf32, #tpu.memory_space<vmem>>, %arg15: memref<1x512xf32, #tpu.memory_space<vmem>>, %arg16: memref<64x64xf32, #tpu.memory_space<vmem>>, %arg17: memref<1x64xf32, #tpu.memory_space<vmem>>, %arg18: memref<64x3xf32, #tpu.memory_space<vmem>>, %arg19: memref<1x3xf32, #tpu.memory_space<vmem>>, %arg20: memref<1024x24xf32, #tpu.memory_space<vmem>>) attributes {dimension_semantics = [#tpu.dimension_semantics<arbitrary>], iteration_bounds = array<i64: 64>, scalar_prefetch = 0 : i64, scratch_operands = 0 : i64, tpu.core_type = #tpu.core_type<tc>, window_params = [{transform_indices = @transform_0, window_bounds = array<i64: 1024, 64>}, {transform_indices = @transform_1, window_bounds = array<i64: 1024, 64>}, {transform_indices = @transform_2, window_bounds = array<i64: 1024, 64>}, {transform_indices = @transform_3, window_bounds = array<i64: 1024, 64>}, {transform_indices = @transform_4, window_bounds = array<i64: 1024, 64>}, {transform_indices = @transform_5, window_bounds = array<i64: 1024, 64>}, {transform_indices = @transform_6, window_bounds = array<i64: 1024, 8>}, {transform_indices = @transform_7, window_bounds = array<i64: 1024, 8>}, {transform_indices = @transform_8, window_bounds = array<i64: 1024, 8>}, {pipeline_mode = #tpu.pipeline_mode<synchronous>, transform_indices = @transform_9, window_bounds = array<i64: 8, 64>}, {pipeline_mode = #tpu.pipeline_mode<synchronous>, transform_indices = @transform_10, window_bounds = array<i64: 64, 512>}, {pipeline_mode = #tpu.pipeline_mode<synchronous>, transform_indices = @transform_11, window_bounds = array<i64: 64, 512>}, {pipeline_mode = #tpu.pipeline_mode<synchronous>, transform_indices = @transform_12, window_bounds = array<i64: 64, 512>}, {pipeline_mode = #tpu.pipeline_mode<synchronous>, transform_indices = @transform_13, window_bounds = array<i64: 8, 512>}, {pipeline_mode = #tpu.pipeline_mode<synchronous>, transform_indices = @transform_14, window_bounds = array<i64: 1, 512>}, {pipeline_mode = #tpu.pipeline_mode<synchronous>, transform_indices = @transform_15, window_bounds = array<i64: 64, 64>}, {pipeline_mode = #tpu.pipeline_mode<synchronous>, transform_indices = @transform_16, window_bounds = array<i64: 1, 64>}, {pipeline_mode = #tpu.pipeline_mode<synchronous>, transform_indices = @transform_17, window_bounds = array<i64: 64, 3>}, {pipeline_mode = #tpu.pipeline_mode<synchronous>, transform_indices = @transform_18, window_bounds = array<i64: 1, 3>}, {transform_indices = @transform_19, window_bounds = array<i64: 1024, 24>}]} {
    %get3A = arith.constant 0 : index
    %get3A_0 = arith.constant 0 : index
    %get3A_1 = vector.load %arg10[%get3A, %get3A_0] : memref<8x64xf32, #tpu.memory_space<vmem>>, vector<8x64xf32>
    %get3A_2 = arith.constant 0 : index
    %get3A_3 = arith.constant 0 : index
    %get3A_4 = vector.load %arg7[%get3A_2, %get3A_3] : memref<1024x8xf32, #tpu.memory_space<vmem>>, vector<1024x8xf32>
    %dot_general3A = arith.constant dense<0.000000e+00> : vector<1024x64xf32>
    %dot_general3A_5 = tpu.matmul %get3A_4, %get3A_1, %dot_general3A {dimension_numbers = #tpu.dot_dimension_numbers<[1], [0], [0], [1], [0, 0, 1, 1], [], []>, transpose_lhs_hint = false} : vector<1024x8xf32>, vector<8x64xf32>, vector<1024x64xf32> -> vector<1024x64xf32>
    %get3A_6 = arith.constant 0 : index
    %get3A_7 = arith.constant 0 : index
    %get3A_8 = vector.load %arg8[%get3A_6, %get3A_7] : memref<1024x8xf32, #tpu.memory_space<vmem>>, vector<1024x8xf32>
    %dot_general3A_9 = arith.constant dense<0.000000e+00> : vector<1024x64xf32>
    %dot_general3A_10 = tpu.matmul %get3A_8, %get3A_1, %dot_general3A_9 {dimension_numbers = #tpu.dot_dimension_numbers<[1], [0], [0], [1], [0, 0, 1, 1], [], []>, transpose_lhs_hint = false} : vector<1024x8xf32>, vector<8x64xf32>, vector<1024x64xf32> -> vector<1024x64xf32>
    %iota3A = tpu.iota {dimensions = array<i32: 1>} : vector<1x64xi32>
    %jit3A = arith.constant 8 : i32
    %eq3A = arith.constant 0 : i32
    %eq3A_11 = arith.cmpi eq, %jit3A, %eq3A : i32
    %jit3A_12 = arith.constant 1 : i32
    %select_n3A = arith.select %eq3A_11, %jit3A_12, %jit3A : i32
    %rem3A = vector.broadcast %select_n3A : i32 to vector<1x64xi32>
    %rem3A_13 = arith.remsi %iota3A, %rem3A : vector<1x64xi32>
    %ne3A = arith.constant 0 : i32
    %ne3A_14 = vector.broadcast %ne3A : i32 to vector<1x64xi32>
    %ne3A_15 = arith.cmpi ne, %rem3A_13, %ne3A_14 : vector<1x64xi32>
    %lt3A = arith.constant 0 : i32
    %lt3A_16 = vector.broadcast %lt3A : i32 to vector<1x64xi32>
    %lt3A_17 = arith.cmpi slt, %rem3A_13, %lt3A_16 : vector<1x64xi32>
    %lt3A_18 = arith.constant 0 : i32
    %lt3A_19 = arith.cmpi slt, %select_n3A, %lt3A_18 : i32
    %ne3A_20 = vector.broadcast %lt3A_19 : i1 to vector<1x64xi1>
    %ne3A_21 = vector.broadcast %ne3A_20 : vector<1x64xi1> to vector<1x64xi1>
    %ne3A_22 = arith.xori %lt3A_17, %ne3A_21 : vector<1x64xi1>
    %and3A = arith.andi %ne3A_22, %ne3A_15 : vector<1x64xi1>
    %add3A = vector.broadcast %select_n3A : i32 to vector<1x64xi32>
    %add3A_23 = arith.addi %rem3A_13, %add3A : vector<1x64xi32>
    %select_n3A_24 = arith.select %and3A, %add3A_23, %rem3A_13 : vector<1x64xi1>, vector<1x64xi32>
    %ge3A = arith.constant 4 : i32
    %ge3A_25 = vector.broadcast %ge3A : i32 to vector<1x64xi32>
    %ge3A_26 = arith.cmpi sge, %select_n3A_24, %ge3A_25 : vector<1x64xi32>
    %get3A_27 = arith.constant 0 : index
    %get3A_28 = arith.constant 0 : index
    %get3A_29 = vector.load %arg9[%get3A_27, %get3A_28] : memref<1024x8xf32, #tpu.memory_space<vmem>>, vector<1024x8xf32>
    %get3A_30 = arith.constant 0 : index
    %get3A_31 = arith.constant 0 : index
    %get3A_32 = vector.load %arg14[%get3A_30, %get3A_31] : memref<8x512xf32, #tpu.memory_space<vmem>>, vector<8x512xf32>
    %dot_general3A_33 = arith.constant dense<0.000000e+00> : vector<1024x512xf32>
    %dot_general3A_34 = tpu.matmul %get3A_29, %get3A_32, %dot_general3A_33 {dimension_numbers = #tpu.dot_dimension_numbers<[1], [0], [0], [1], [0, 0, 1, 1], [], []>, transpose_lhs_hint = false} : vector<1024x8xf32>, vector<8x512xf32>, vector<1024x512xf32> -> vector<1024x512xf32>
    %mul3A = arith.constant 5.120000e+02 : f32
    %mul3A_35 = vector.broadcast %mul3A : f32 to vector<1024x64xf32>
    %mul3A_36 = arith.mulf %dot_general3A_5, %mul3A_35 : vector<1024x64xf32>
    %floor3A = math.floor %mul3A_36 : vector<1024x64xf32>
    %sub3A = arith.subf %mul3A_36, %floor3A : vector<1024x64xf32>
    %mul3A_37 = arith.constant 5.120000e+02 : f32
    %mul3A_38 = vector.broadcast %mul3A_37 : f32 to vector<1024x64xf32>
    %mul3A_39 = arith.mulf %dot_general3A_10, %mul3A_38 : vector<1024x64xf32>
    %floor3A_40 = math.floor %mul3A_39 : vector<1024x64xf32>
    %sub3A_41 = arith.subf %mul3A_39, %floor3A_40 : vector<1024x64xf32>
    %sub3A_42 = arith.constant 1.000000e+00 : f32
    %sub3A_43 = vector.broadcast %sub3A_42 : f32 to vector<1024x64xf32>
    %sub3A_44 = arith.subf %sub3A_43, %sub3A : vector<1024x64xf32>
    %broadcast_in_dim3A = vector.shape_cast %ge3A_26 : vector<1x64xi1> to vector<1x64xi1>
    %broadcast_in_dim3A_45 = vector.broadcast %broadcast_in_dim3A : vector<1x64xi1> to vector<1024x64xi1>
    %select_n3A_46 = arith.select %broadcast_in_dim3A_45, %sub3A, %sub3A_44 : vector<1024x64xi1>, vector<1024x64xf32>
    %get3A_47 = arith.constant 0 : index
    %get3A_48 = arith.constant 0 : index
    %get3A_49 = vector.load %arg1[%get3A_47, %get3A_48] : memref<1024x64xf32, #tpu.memory_space<vmem>>, vector<1024x64xf32>
    %sub3A_50 = arith.constant 1.000000e+00 : f32
    %sub3A_51 = vector.broadcast %sub3A_50 : f32 to vector<1024x64xf32>
    %sub3A_52 = arith.subf %sub3A_51, %sub3A_41 : vector<1024x64xf32>
    %mul3A_53 = arith.mulf %get3A_49, %sub3A_52 : vector<1024x64xf32>
    %get3A_54 = arith.constant 0 : index
    %get3A_55 = arith.constant 0 : index
    %get3A_56 = vector.load %arg2[%get3A_54, %get3A_55] : memref<1024x64xf32, #tpu.memory_space<vmem>>, vector<1024x64xf32>
    %mul3A_57 = arith.mulf %get3A_56, %sub3A_41 : vector<1024x64xf32>
    %add3A_58 = arith.addf %mul3A_53, %mul3A_57 : vector<1024x64xf32>
    %mul3A_59 = arith.mulf %select_n3A_46, %add3A_58 : vector<1024x64xf32>
    %get3A_60 = arith.constant 0 : index
    %get3A_61 = arith.constant 0 : index
    %get3A_62 = vector.load %arg11[%get3A_60, %get3A_61] : memref<64x512xf32, #tpu.memory_space<vmem>>, vector<64x512xf32>
    %dot_general3A_63 = arith.constant dense<0.000000e+00> : vector<1024x512xf32>
    %dot_general3A_64 = tpu.matmul %mul3A_59, %get3A_62, %dot_general3A_63 {dimension_numbers = #tpu.dot_dimension_numbers<[1], [0], [0], [1], [0, 0, 1, 1], [], []>, transpose_lhs_hint = false} : vector<1024x64xf32>, vector<64x512xf32>, vector<1024x512xf32> -> vector<1024x512xf32>
    %add3A_65 = arith.addf %dot_general3A_34, %dot_general3A_64 : vector<1024x512xf32>
    %mul3A_66 = arith.constant 2.640000e+02 : f32
    %mul3A_67 = vector.broadcast %mul3A_66 : f32 to vector<1024x64xf32>
    %mul3A_68 = arith.mulf %dot_general3A_5, %mul3A_67 : vector<1024x64xf32>
    %floor3A_69 = math.floor %mul3A_68 : vector<1024x64xf32>
    %sub3A_70 = arith.subf %mul3A_68, %floor3A_69 : vector<1024x64xf32>
    %mul3A_71 = arith.constant 2.640000e+02 : f32
    %mul3A_72 = vector.broadcast %mul3A_71 : f32 to vector<1024x64xf32>
    %mul3A_73 = arith.mulf %dot_general3A_10, %mul3A_72 : vector<1024x64xf32>
    %floor3A_74 = math.floor %mul3A_73 : vector<1024x64xf32>
    %sub3A_75 = arith.subf %mul3A_73, %floor3A_74 : vector<1024x64xf32>
    %sub3A_76 = arith.constant 1.000000e+00 : f32
    %sub3A_77 = vector.broadcast %sub3A_76 : f32 to vector<1024x64xf32>
    %sub3A_78 = arith.subf %sub3A_77, %sub3A_70 : vector<1024x64xf32>
    %broadcast_in_dim3A_79 = vector.shape_cast %ge3A_26 : vector<1x64xi1> to vector<1x64xi1>
    %broadcast_in_dim3A_80 = vector.broadcast %broadcast_in_dim3A_79 : vector<1x64xi1> to vector<1024x64xi1>
    %select_n3A_81 = arith.select %broadcast_in_dim3A_80, %sub3A_70, %sub3A_78 : vector<1024x64xi1>, vector<1024x64xf32>
    %get3A_82 = arith.constant 0 : index
    %get3A_83 = arith.constant 0 : index
    %get3A_84 = vector.load %arg3[%get3A_82, %get3A_83] : memref<1024x64xf32, #tpu.memory_space<vmem>>, vector<1024x64xf32>
    %sub3A_85 = arith.constant 1.000000e+00 : f32
    %sub3A_86 = vector.broadcast %sub3A_85 : f32 to vector<1024x64xf32>
    %sub3A_87 = arith.subf %sub3A_86, %sub3A_75 : vector<1024x64xf32>
    %mul3A_88 = arith.mulf %get3A_84, %sub3A_87 : vector<1024x64xf32>
    %get3A_89 = arith.constant 0 : index
    %get3A_90 = arith.constant 0 : index
    %get3A_91 = vector.load %arg4[%get3A_89, %get3A_90] : memref<1024x64xf32, #tpu.memory_space<vmem>>, vector<1024x64xf32>
    %mul3A_92 = arith.mulf %get3A_91, %sub3A_75 : vector<1024x64xf32>
    %add3A_93 = arith.addf %mul3A_88, %mul3A_92 : vector<1024x64xf32>
    %mul3A_94 = arith.mulf %select_n3A_81, %add3A_93 : vector<1024x64xf32>
    %get3A_95 = arith.constant 0 : index
    %get3A_96 = arith.constant 0 : index
    %get3A_97 = vector.load %arg12[%get3A_95, %get3A_96] : memref<64x512xf32, #tpu.memory_space<vmem>>, vector<64x512xf32>
    %dot_general3A_98 = arith.constant dense<0.000000e+00> : vector<1024x512xf32>
    %dot_general3A_99 = tpu.matmul %mul3A_94, %get3A_97, %dot_general3A_98 {dimension_numbers = #tpu.dot_dimension_numbers<[1], [0], [0], [1], [0, 0, 1, 1], [], []>, transpose_lhs_hint = false} : vector<1024x64xf32>, vector<64x512xf32>, vector<1024x512xf32> -> vector<1024x512xf32>
    %add3A_100 = arith.addf %add3A_65, %dot_general3A_99 : vector<1024x512xf32>
    %mul3A_101 = arith.constant 1.600000e+01 : f32
    %mul3A_102 = vector.broadcast %mul3A_101 : f32 to vector<1024x64xf32>
    %mul3A_103 = arith.mulf %dot_general3A_5, %mul3A_102 : vector<1024x64xf32>
    %floor3A_104 = math.floor %mul3A_103 : vector<1024x64xf32>
    %sub3A_105 = arith.subf %mul3A_103, %floor3A_104 : vector<1024x64xf32>
    %mul3A_106 = arith.constant 1.600000e+01 : f32
    %mul3A_107 = vector.broadcast %mul3A_106 : f32 to vector<1024x64xf32>
    %mul3A_108 = arith.mulf %dot_general3A_10, %mul3A_107 : vector<1024x64xf32>
    %floor3A_109 = math.floor %mul3A_108 : vector<1024x64xf32>
    %sub3A_110 = arith.subf %mul3A_108, %floor3A_109 : vector<1024x64xf32>
    %sub3A_111 = arith.constant 1.000000e+00 : f32
    %sub3A_112 = vector.broadcast %sub3A_111 : f32 to vector<1024x64xf32>
    %sub3A_113 = arith.subf %sub3A_112, %sub3A_105 : vector<1024x64xf32>
    %broadcast_in_dim3A_114 = vector.shape_cast %ge3A_26 : vector<1x64xi1> to vector<1x64xi1>
    %broadcast_in_dim3A_115 = vector.broadcast %broadcast_in_dim3A_114 : vector<1x64xi1> to vector<1024x64xi1>
    %select_n3A_116 = arith.select %broadcast_in_dim3A_115, %sub3A_105, %sub3A_113 : vector<1024x64xi1>, vector<1024x64xf32>
    %get3A_117 = arith.constant 0 : index
    %get3A_118 = arith.constant 0 : index
    %get3A_119 = vector.load %arg5[%get3A_117, %get3A_118] : memref<1024x64xf32, #tpu.memory_space<vmem>>, vector<1024x64xf32>
    %sub3A_120 = arith.constant 1.000000e+00 : f32
    %sub3A_121 = vector.broadcast %sub3A_120 : f32 to vector<1024x64xf32>
    %sub3A_122 = arith.subf %sub3A_121, %sub3A_110 : vector<1024x64xf32>
    %mul3A_123 = arith.mulf %get3A_119, %sub3A_122 : vector<1024x64xf32>
    %get3A_124 = arith.constant 0 : index
    %get3A_125 = arith.constant 0 : index
    %get3A_126 = vector.load %arg6[%get3A_124, %get3A_125] : memref<1024x64xf32, #tpu.memory_space<vmem>>, vector<1024x64xf32>
    %mul3A_127 = arith.mulf %get3A_126, %sub3A_110 : vector<1024x64xf32>
    %add3A_128 = arith.addf %mul3A_123, %mul3A_127 : vector<1024x64xf32>
    %mul3A_129 = arith.mulf %select_n3A_116, %add3A_128 : vector<1024x64xf32>
    %get3A_130 = arith.constant 0 : index
    %get3A_131 = arith.constant 0 : index
    %get3A_132 = vector.load %arg13[%get3A_130, %get3A_131] : memref<64x512xf32, #tpu.memory_space<vmem>>, vector<64x512xf32>
    %dot_general3A_133 = arith.constant dense<0.000000e+00> : vector<1024x512xf32>
    %dot_general3A_134 = tpu.matmul %mul3A_129, %get3A_132, %dot_general3A_133 {dimension_numbers = #tpu.dot_dimension_numbers<[1], [0], [0], [1], [0, 0, 1, 1], [], []>, transpose_lhs_hint = false} : vector<1024x64xf32>, vector<64x512xf32>, vector<1024x512xf32> -> vector<1024x512xf32>
    %add3A_135 = arith.addf %add3A_100, %dot_general3A_134 : vector<1024x512xf32>
    %get3A_136 = arith.constant 0 : index
    %get3A_137 = arith.constant 0 : index
    %get3A_138 = vector.load %arg15[%get3A_136, %get3A_137] : memref<1x512xf32, #tpu.memory_space<vmem>>, vector<1x512xf32>
    %add3A_139 = vector.broadcast %get3A_138 : vector<1x512xf32> to vector<1024x512xf32>
    %add3A_140 = arith.addf %add3A_135, %add3A_139 : vector<1024x512xf32>
    %max3A = arith.constant 0.000000e+00 : f32
    %max3A_141 = vector.broadcast %max3A : f32 to vector<1024x512xf32>
    %max3A_142 = arith.maximumf %add3A_140, %max3A_141 : vector<1024x512xf32>
    %slice3A = vector.extract_strided_slice %max3A_142 {offsets = [0, 0], sizes = [1024, 64], strides = [1, 1]} : vector<1024x512xf32> to vector<1024x64xf32>
    %get3A_143 = arith.constant 0 : index
    %get3A_144 = arith.constant 0 : index
    %get3A_145 = vector.load %arg16[%get3A_143, %get3A_144] : memref<64x64xf32, #tpu.memory_space<vmem>>, vector<64x64xf32>
    %dot_general3A_146 = arith.constant dense<0.000000e+00> : vector<1024x64xf32>
    %dot_general3A_147 = tpu.matmul %slice3A, %get3A_145, %dot_general3A_146 {dimension_numbers = #tpu.dot_dimension_numbers<[1], [0], [0], [1], [0, 0, 1, 1], [], []>, transpose_lhs_hint = false} : vector<1024x64xf32>, vector<64x64xf32>, vector<1024x64xf32> -> vector<1024x64xf32>
    %get3A_148 = arith.constant 0 : index
    %get3A_149 = arith.constant 0 : index
    %get3A_150 = vector.load %arg17[%get3A_148, %get3A_149] : memref<1x64xf32, #tpu.memory_space<vmem>>, vector<1x64xf32>
    %add3A_151 = vector.broadcast %get3A_150 : vector<1x64xf32> to vector<1024x64xf32>
    %add3A_152 = arith.addf %dot_general3A_147, %add3A_151 : vector<1024x64xf32>
    %max3A_153 = arith.constant 0.000000e+00 : f32
    %max3A_154 = vector.broadcast %max3A_153 : f32 to vector<1024x64xf32>
    %max3A_155 = arith.maximumf %add3A_152, %max3A_154 : vector<1024x64xf32>
    %get3A_156 = arith.constant 0 : index
    %get3A_157 = arith.constant 0 : index
    %get3A_158 = vector.load %arg18[%get3A_156, %get3A_157] : memref<64x3xf32, #tpu.memory_space<vmem>>, vector<64x3xf32>
    %dot_general3A_159 = arith.constant dense<0.000000e+00> : vector<1024x3xf32>
    %dot_general3A_160 = tpu.matmul %max3A_155, %get3A_158, %dot_general3A_159 {dimension_numbers = #tpu.dot_dimension_numbers<[1], [0], [0], [1], [0, 0, 1, 1], [], []>, transpose_lhs_hint = false} : vector<1024x64xf32>, vector<64x3xf32>, vector<1024x3xf32> -> vector<1024x3xf32>
    %get3A_161 = arith.constant 0 : index
    %get3A_162 = arith.constant 0 : index
    %get3A_163 = vector.load %arg19[%get3A_161, %get3A_162] : memref<1x3xf32, #tpu.memory_space<vmem>>, vector<1x3xf32>
    %add3A_164 = vector.broadcast %get3A_163 : vector<1x3xf32> to vector<1024x3xf32>
    %add3A_165 = arith.addf %dot_general3A_160, %add3A_164 : vector<1024x3xf32>
    %slice3A_166 = vector.extract_strided_slice %max3A_142 {offsets = [0, 64], sizes = [1024, 64], strides = [1, 1]} : vector<1024x512xf32> to vector<1024x64xf32>
    %get3A_167 = arith.constant 0 : index
    %get3A_168 = arith.constant 0 : index
    %get3A_169 = vector.load %arg16[%get3A_167, %get3A_168] : memref<64x64xf32, #tpu.memory_space<vmem>>, vector<64x64xf32>
    %dot_general3A_170 = arith.constant dense<0.000000e+00> : vector<1024x64xf32>
    %dot_general3A_171 = tpu.matmul %slice3A_166, %get3A_169, %dot_general3A_170 {dimension_numbers = #tpu.dot_dimension_numbers<[1], [0], [0], [1], [0, 0, 1, 1], [], []>, transpose_lhs_hint = false} : vector<1024x64xf32>, vector<64x64xf32>, vector<1024x64xf32> -> vector<1024x64xf32>
    %get3A_172 = arith.constant 0 : index
    %get3A_173 = arith.constant 0 : index
    %get3A_174 = vector.load %arg17[%get3A_172, %get3A_173] : memref<1x64xf32, #tpu.memory_space<vmem>>, vector<1x64xf32>
    %add3A_175 = vector.broadcast %get3A_174 : vector<1x64xf32> to vector<1024x64xf32>
    %add3A_176 = arith.addf %dot_general3A_171, %add3A_175 : vector<1024x64xf32>
    %max3A_177 = arith.constant 0.000000e+00 : f32
    %max3A_178 = vector.broadcast %max3A_177 : f32 to vector<1024x64xf32>
    %max3A_179 = arith.maximumf %add3A_176, %max3A_178 : vector<1024x64xf32>
    %get3A_180 = arith.constant 0 : index
    %get3A_181 = arith.constant 0 : index
    %get3A_182 = vector.load %arg18[%get3A_180, %get3A_181] : memref<64x3xf32, #tpu.memory_space<vmem>>, vector<64x3xf32>
    %dot_general3A_183 = arith.constant dense<0.000000e+00> : vector<1024x3xf32>
    %dot_general3A_184 = tpu.matmul %max3A_179, %get3A_182, %dot_general3A_183 {dimension_numbers = #tpu.dot_dimension_numbers<[1], [0], [0], [1], [0, 0, 1, 1], [], []>, transpose_lhs_hint = false} : vector<1024x64xf32>, vector<64x3xf32>, vector<1024x3xf32> -> vector<1024x3xf32>
    %get3A_185 = arith.constant 0 : index
    %get3A_186 = arith.constant 0 : index
    %get3A_187 = vector.load %arg19[%get3A_185, %get3A_186] : memref<1x3xf32, #tpu.memory_space<vmem>>, vector<1x3xf32>
    %add3A_188 = vector.broadcast %get3A_187 : vector<1x3xf32> to vector<1024x3xf32>
    %add3A_189 = arith.addf %dot_general3A_184, %add3A_188 : vector<1024x3xf32>
    %slice3A_190 = vector.extract_strided_slice %max3A_142 {offsets = [0, 128], sizes = [1024, 64], strides = [1, 1]} : vector<1024x512xf32> to vector<1024x64xf32>
    %get3A_191 = arith.constant 0 : index
    %get3A_192 = arith.constant 0 : index
    %get3A_193 = vector.load %arg16[%get3A_191, %get3A_192] : memref<64x64xf32, #tpu.memory_space<vmem>>, vector<64x64xf32>
    %dot_general3A_194 = arith.constant dense<0.000000e+00> : vector<1024x64xf32>
    %dot_general3A_195 = tpu.matmul %slice3A_190, %get3A_193, %dot_general3A_194 {dimension_numbers = #tpu.dot_dimension_numbers<[1], [0], [0], [1], [0, 0, 1, 1], [], []>, transpose_lhs_hint = false} : vector<1024x64xf32>, vector<64x64xf32>, vector<1024x64xf32> -> vector<1024x64xf32>
    %get3A_196 = arith.constant 0 : index
    %get3A_197 = arith.constant 0 : index
    %get3A_198 = vector.load %arg17[%get3A_196, %get3A_197] : memref<1x64xf32, #tpu.memory_space<vmem>>, vector<1x64xf32>
    %add3A_199 = vector.broadcast %get3A_198 : vector<1x64xf32> to vector<1024x64xf32>
    %add3A_200 = arith.addf %dot_general3A_195, %add3A_199 : vector<1024x64xf32>
    %max3A_201 = arith.constant 0.000000e+00 : f32
    %max3A_202 = vector.broadcast %max3A_201 : f32 to vector<1024x64xf32>
    %max3A_203 = arith.maximumf %add3A_200, %max3A_202 : vector<1024x64xf32>
    %get3A_204 = arith.constant 0 : index
    %get3A_205 = arith.constant 0 : index
    %get3A_206 = vector.load %arg18[%get3A_204, %get3A_205] : memref<64x3xf32, #tpu.memory_space<vmem>>, vector<64x3xf32>
    %dot_general3A_207 = arith.constant dense<0.000000e+00> : vector<1024x3xf32>
    %dot_general3A_208 = tpu.matmul %max3A_203, %get3A_206, %dot_general3A_207 {dimension_numbers = #tpu.dot_dimension_numbers<[1], [0], [0], [1], [0, 0, 1, 1], [], []>, transpose_lhs_hint = false} : vector<1024x64xf32>, vector<64x3xf32>, vector<1024x3xf32> -> vector<1024x3xf32>
    %get3A_209 = arith.constant 0 : index
    %get3A_210 = arith.constant 0 : index
    %get3A_211 = vector.load %arg19[%get3A_209, %get3A_210] : memref<1x3xf32, #tpu.memory_space<vmem>>, vector<1x3xf32>
    %add3A_212 = vector.broadcast %get3A_211 : vector<1x3xf32> to vector<1024x3xf32>
    %add3A_213 = arith.addf %dot_general3A_208, %add3A_212 : vector<1024x3xf32>
    %slice3A_214 = vector.extract_strided_slice %max3A_142 {offsets = [0, 192], sizes = [1024, 64], strides = [1, 1]} : vector<1024x512xf32> to vector<1024x64xf32>
    %get3A_215 = arith.constant 0 : index
    %get3A_216 = arith.constant 0 : index
    %get3A_217 = vector.load %arg16[%get3A_215, %get3A_216] : memref<64x64xf32, #tpu.memory_space<vmem>>, vector<64x64xf32>
    %dot_general3A_218 = arith.constant dense<0.000000e+00> : vector<1024x64xf32>
    %dot_general3A_219 = tpu.matmul %slice3A_214, %get3A_217, %dot_general3A_218 {dimension_numbers = #tpu.dot_dimension_numbers<[1], [0], [0], [1], [0, 0, 1, 1], [], []>, transpose_lhs_hint = false} : vector<1024x64xf32>, vector<64x64xf32>, vector<1024x64xf32> -> vector<1024x64xf32>
    %get3A_220 = arith.constant 0 : index
    %get3A_221 = arith.constant 0 : index
    %get3A_222 = vector.load %arg17[%get3A_220, %get3A_221] : memref<1x64xf32, #tpu.memory_space<vmem>>, vector<1x64xf32>
    %add3A_223 = vector.broadcast %get3A_222 : vector<1x64xf32> to vector<1024x64xf32>
    %add3A_224 = arith.addf %dot_general3A_219, %add3A_223 : vector<1024x64xf32>
    %max3A_225 = arith.constant 0.000000e+00 : f32
    %max3A_226 = vector.broadcast %max3A_225 : f32 to vector<1024x64xf32>
    %max3A_227 = arith.maximumf %add3A_224, %max3A_226 : vector<1024x64xf32>
    %get3A_228 = arith.constant 0 : index
    %get3A_229 = arith.constant 0 : index
    %get3A_230 = vector.load %arg18[%get3A_228, %get3A_229] : memref<64x3xf32, #tpu.memory_space<vmem>>, vector<64x3xf32>
    %dot_general3A_231 = arith.constant dense<0.000000e+00> : vector<1024x3xf32>
    %dot_general3A_232 = tpu.matmul %max3A_227, %get3A_230, %dot_general3A_231 {dimension_numbers = #tpu.dot_dimension_numbers<[1], [0], [0], [1], [0, 0, 1, 1], [], []>, transpose_lhs_hint = false} : vector<1024x64xf32>, vector<64x3xf32>, vector<1024x3xf32> -> vector<1024x3xf32>
    %get3A_233 = arith.constant 0 : index
    %get3A_234 = arith.constant 0 : index
    %get3A_235 = vector.load %arg19[%get3A_233, %get3A_234] : memref<1x3xf32, #tpu.memory_space<vmem>>, vector<1x3xf32>
    %add3A_236 = vector.broadcast %get3A_235 : vector<1x3xf32> to vector<1024x3xf32>
    %add3A_237 = arith.addf %dot_general3A_232, %add3A_236 : vector<1024x3xf32>
    %slice3A_238 = vector.extract_strided_slice %max3A_142 {offsets = [0, 256], sizes = [1024, 64], strides = [1, 1]} : vector<1024x512xf32> to vector<1024x64xf32>
    %get3A_239 = arith.constant 0 : index
    %get3A_240 = arith.constant 0 : index
    %get3A_241 = vector.load %arg16[%get3A_239, %get3A_240] : memref<64x64xf32, #tpu.memory_space<vmem>>, vector<64x64xf32>
    %dot_general3A_242 = arith.constant dense<0.000000e+00> : vector<1024x64xf32>
    %dot_general3A_243 = tpu.matmul %slice3A_238, %get3A_241, %dot_general3A_242 {dimension_numbers = #tpu.dot_dimension_numbers<[1], [0], [0], [1], [0, 0, 1, 1], [], []>, transpose_lhs_hint = false} : vector<1024x64xf32>, vector<64x64xf32>, vector<1024x64xf32> -> vector<1024x64xf32>
    %get3A_244 = arith.constant 0 : index
    %get3A_245 = arith.constant 0 : index
    %get3A_246 = vector.load %arg17[%get3A_244, %get3A_245] : memref<1x64xf32, #tpu.memory_space<vmem>>, vector<1x64xf32>
    %add3A_247 = vector.broadcast %get3A_246 : vector<1x64xf32> to vector<1024x64xf32>
    %add3A_248 = arith.addf %dot_general3A_243, %add3A_247 : vector<1024x64xf32>
    %max3A_249 = arith.constant 0.000000e+00 : f32
    %max3A_250 = vector.broadcast %max3A_249 : f32 to vector<1024x64xf32>
    %max3A_251 = arith.maximumf %add3A_248, %max3A_250 : vector<1024x64xf32>
    %get3A_252 = arith.constant 0 : index
    %get3A_253 = arith.constant 0 : index
    %get3A_254 = vector.load %arg18[%get3A_252, %get3A_253] : memref<64x3xf32, #tpu.memory_space<vmem>>, vector<64x3xf32>
    %dot_general3A_255 = arith.constant dense<0.000000e+00> : vector<1024x3xf32>
    %dot_general3A_256 = tpu.matmul %max3A_251, %get3A_254, %dot_general3A_255 {dimension_numbers = #tpu.dot_dimension_numbers<[1], [0], [0], [1], [0, 0, 1, 1], [], []>, transpose_lhs_hint = false} : vector<1024x64xf32>, vector<64x3xf32>, vector<1024x3xf32> -> vector<1024x3xf32>
    %get3A_257 = arith.constant 0 : index
    %get3A_258 = arith.constant 0 : index
    %get3A_259 = vector.load %arg19[%get3A_257, %get3A_258] : memref<1x3xf32, #tpu.memory_space<vmem>>, vector<1x3xf32>
    %add3A_260 = vector.broadcast %get3A_259 : vector<1x3xf32> to vector<1024x3xf32>
    %add3A_261 = arith.addf %dot_general3A_256, %add3A_260 : vector<1024x3xf32>
    %slice3A_262 = vector.extract_strided_slice %max3A_142 {offsets = [0, 320], sizes = [1024, 64], strides = [1, 1]} : vector<1024x512xf32> to vector<1024x64xf32>
    %get3A_263 = arith.constant 0 : index
    %get3A_264 = arith.constant 0 : index
    %get3A_265 = vector.load %arg16[%get3A_263, %get3A_264] : memref<64x64xf32, #tpu.memory_space<vmem>>, vector<64x64xf32>
    %dot_general3A_266 = arith.constant dense<0.000000e+00> : vector<1024x64xf32>
    %dot_general3A_267 = tpu.matmul %slice3A_262, %get3A_265, %dot_general3A_266 {dimension_numbers = #tpu.dot_dimension_numbers<[1], [0], [0], [1], [0, 0, 1, 1], [], []>, transpose_lhs_hint = false} : vector<1024x64xf32>, vector<64x64xf32>, vector<1024x64xf32> -> vector<1024x64xf32>
    %get3A_268 = arith.constant 0 : index
    %get3A_269 = arith.constant 0 : index
    %get3A_270 = vector.load %arg17[%get3A_268, %get3A_269] : memref<1x64xf32, #tpu.memory_space<vmem>>, vector<1x64xf32>
    %add3A_271 = vector.broadcast %get3A_270 : vector<1x64xf32> to vector<1024x64xf32>
    %add3A_272 = arith.addf %dot_general3A_267, %add3A_271 : vector<1024x64xf32>
    %max3A_273 = arith.constant 0.000000e+00 : f32
    %max3A_274 = vector.broadcast %max3A_273 : f32 to vector<1024x64xf32>
    %max3A_275 = arith.maximumf %add3A_272, %max3A_274 : vector<1024x64xf32>
    %get3A_276 = arith.constant 0 : index
    %get3A_277 = arith.constant 0 : index
    %get3A_278 = vector.load %arg18[%get3A_276, %get3A_277] : memref<64x3xf32, #tpu.memory_space<vmem>>, vector<64x3xf32>
    %dot_general3A_279 = arith.constant dense<0.000000e+00> : vector<1024x3xf32>
    %dot_general3A_280 = tpu.matmul %max3A_275, %get3A_278, %dot_general3A_279 {dimension_numbers = #tpu.dot_dimension_numbers<[1], [0], [0], [1], [0, 0, 1, 1], [], []>, transpose_lhs_hint = false} : vector<1024x64xf32>, vector<64x3xf32>, vector<1024x3xf32> -> vector<1024x3xf32>
    %get3A_281 = arith.constant 0 : index
    %get3A_282 = arith.constant 0 : index
    %get3A_283 = vector.load %arg19[%get3A_281, %get3A_282] : memref<1x3xf32, #tpu.memory_space<vmem>>, vector<1x3xf32>
    %add3A_284 = vector.broadcast %get3A_283 : vector<1x3xf32> to vector<1024x3xf32>
    %add3A_285 = arith.addf %dot_general3A_280, %add3A_284 : vector<1024x3xf32>
    %slice3A_286 = vector.extract_strided_slice %max3A_142 {offsets = [0, 384], sizes = [1024, 64], strides = [1, 1]} : vector<1024x512xf32> to vector<1024x64xf32>
    %get3A_287 = arith.constant 0 : index
    %get3A_288 = arith.constant 0 : index
    %get3A_289 = vector.load %arg16[%get3A_287, %get3A_288] : memref<64x64xf32, #tpu.memory_space<vmem>>, vector<64x64xf32>
    %dot_general3A_290 = arith.constant dense<0.000000e+00> : vector<1024x64xf32>
    %dot_general3A_291 = tpu.matmul %slice3A_286, %get3A_289, %dot_general3A_290 {dimension_numbers = #tpu.dot_dimension_numbers<[1], [0], [0], [1], [0, 0, 1, 1], [], []>, transpose_lhs_hint = false} : vector<1024x64xf32>, vector<64x64xf32>, vector<1024x64xf32> -> vector<1024x64xf32>
    %get3A_292 = arith.constant 0 : index
    %get3A_293 = arith.constant 0 : index
    %get3A_294 = vector.load %arg17[%get3A_292, %get3A_293] : memref<1x64xf32, #tpu.memory_space<vmem>>, vector<1x64xf32>
    %add3A_295 = vector.broadcast %get3A_294 : vector<1x64xf32> to vector<1024x64xf32>
    %add3A_296 = arith.addf %dot_general3A_291, %add3A_295 : vector<1024x64xf32>
    %max3A_297 = arith.constant 0.000000e+00 : f32
    %max3A_298 = vector.broadcast %max3A_297 : f32 to vector<1024x64xf32>
    %max3A_299 = arith.maximumf %add3A_296, %max3A_298 : vector<1024x64xf32>
    %get3A_300 = arith.constant 0 : index
    %get3A_301 = arith.constant 0 : index
    %get3A_302 = vector.load %arg18[%get3A_300, %get3A_301] : memref<64x3xf32, #tpu.memory_space<vmem>>, vector<64x3xf32>
    %dot_general3A_303 = arith.constant dense<0.000000e+00> : vector<1024x3xf32>
    %dot_general3A_304 = tpu.matmul %max3A_299, %get3A_302, %dot_general3A_303 {dimension_numbers = #tpu.dot_dimension_numbers<[1], [0], [0], [1], [0, 0, 1, 1], [], []>, transpose_lhs_hint = false} : vector<1024x64xf32>, vector<64x3xf32>, vector<1024x3xf32> -> vector<1024x3xf32>
    %get3A_305 = arith.constant 0 : index
    %get3A_306 = arith.constant 0 : index
    %get3A_307 = vector.load %arg19[%get3A_305, %get3A_306] : memref<1x3xf32, #tpu.memory_space<vmem>>, vector<1x3xf32>
    %add3A_308 = vector.broadcast %get3A_307 : vector<1x3xf32> to vector<1024x3xf32>
    %add3A_309 = arith.addf %dot_general3A_304, %add3A_308 : vector<1024x3xf32>
    %slice3A_310 = vector.extract_strided_slice %max3A_142 {offsets = [0, 448], sizes = [1024, 64], strides = [1, 1]} : vector<1024x512xf32> to vector<1024x64xf32>
    %get3A_311 = arith.constant 0 : index
    %get3A_312 = arith.constant 0 : index
    %get3A_313 = vector.load %arg16[%get3A_311, %get3A_312] : memref<64x64xf32, #tpu.memory_space<vmem>>, vector<64x64xf32>
    %dot_general3A_314 = arith.constant dense<0.000000e+00> : vector<1024x64xf32>
    %dot_general3A_315 = tpu.matmul %slice3A_310, %get3A_313, %dot_general3A_314 {dimension_numbers = #tpu.dot_dimension_numbers<[1], [0], [0], [1], [0, 0, 1, 1], [], []>, transpose_lhs_hint = false} : vector<1024x64xf32>, vector<64x64xf32>, vector<1024x64xf32> -> vector<1024x64xf32>
    %get3A_316 = arith.constant 0 : index
    %get3A_317 = arith.constant 0 : index
    %get3A_318 = vector.load %arg17[%get3A_316, %get3A_317] : memref<1x64xf32, #tpu.memory_space<vmem>>, vector<1x64xf32>
    %add3A_319 = vector.broadcast %get3A_318 : vector<1x64xf32> to vector<1024x64xf32>
    %add3A_320 = arith.addf %dot_general3A_315, %add3A_319 : vector<1024x64xf32>
    %max3A_321 = arith.constant 0.000000e+00 : f32
    %max3A_322 = vector.broadcast %max3A_321 : f32 to vector<1024x64xf32>
    %max3A_323 = arith.maximumf %add3A_320, %max3A_322 : vector<1024x64xf32>
    %get3A_324 = arith.constant 0 : index
    %get3A_325 = arith.constant 0 : index
    %get3A_326 = vector.load %arg18[%get3A_324, %get3A_325] : memref<64x3xf32, #tpu.memory_space<vmem>>, vector<64x3xf32>
    %dot_general3A_327 = arith.constant dense<0.000000e+00> : vector<1024x3xf32>
    %dot_general3A_328 = tpu.matmul %max3A_323, %get3A_326, %dot_general3A_327 {dimension_numbers = #tpu.dot_dimension_numbers<[1], [0], [0], [1], [0, 0, 1, 1], [], []>, transpose_lhs_hint = false} : vector<1024x64xf32>, vector<64x3xf32>, vector<1024x3xf32> -> vector<1024x3xf32>
    %get3A_329 = arith.constant 0 : index
    %get3A_330 = arith.constant 0 : index
    %get3A_331 = vector.load %arg19[%get3A_329, %get3A_330] : memref<1x3xf32, #tpu.memory_space<vmem>>, vector<1x3xf32>
    %add3A_332 = vector.broadcast %get3A_331 : vector<1x3xf32> to vector<1024x3xf32>
    %add3A_333 = arith.addf %dot_general3A_328, %add3A_332 : vector<1024x3xf32>
    %concatenate3A = tpu.concatenate %add3A_165, %add3A_189, %add3A_213, %add3A_237, %add3A_261, %add3A_285, %add3A_309, %add3A_333 in 1 : vector<1024x3xf32>, vector<1024x3xf32>, vector<1024x3xf32>, vector<1024x3xf32>, vector<1024x3xf32>, vector<1024x3xf32>, vector<1024x3xf32>, vector<1024x3xf32> -> vector<1024x24xf32>
    %swap3A = arith.constant 0 : index
    %swap3A_334 = arith.constant 0 : index
    %swap3A_335 = vector.load %arg20[%swap3A, %swap3A_334] : memref<1024x24xf32, #tpu.memory_space<vmem>>, vector<1024x24xf32>
    tpu.vector_store %arg20[%swap3A, %swap3A_334], %concatenate3A {strides = array<i32>} : memref<1024x24xf32, #tpu.memory_space<vmem>>, vector<1024x24xf32>,
    return
  }
  func.func @transform_0(%arg0: i32) -> (i32, i32) {
    %add3A = arith.constant 0 : i32
    %add3A_0 = arith.addi %arg0, %add3A : i32
    %c0_i32 = arith.constant 0 : i32
    %c0_i32_1 = arith.constant 0 : i32
    return %add3A_0, %c0_i32 : i32, i32
  }
  func.func @transform_1(%arg0: i32) -> (i32, i32) {
    %add3A = arith.constant 0 : i32
    %add3A_0 = arith.addi %arg0, %add3A : i32
    %c0_i32 = arith.constant 0 : i32
    %c0_i32_1 = arith.constant 0 : i32
    return %add3A_0, %c0_i32 : i32, i32
  }
  func.func @transform_2(%arg0: i32) -> (i32, i32) {
    %add3A = arith.constant 0 : i32
    %add3A_0 = arith.addi %arg0, %add3A : i32
    %c0_i32 = arith.constant 0 : i32
    %c0_i32_1 = arith.constant 0 : i32
    return %add3A_0, %c0_i32 : i32, i32
  }
  func.func @transform_3(%arg0: i32) -> (i32, i32) {
    %add3A = arith.constant 0 : i32
    %add3A_0 = arith.addi %arg0, %add3A : i32
    %c0_i32 = arith.constant 0 : i32
    %c0_i32_1 = arith.constant 0 : i32
    return %add3A_0, %c0_i32 : i32, i32
  }
  func.func @transform_4(%arg0: i32) -> (i32, i32) {
    %add3A = arith.constant 0 : i32
    %add3A_0 = arith.addi %arg0, %add3A : i32
    %c0_i32 = arith.constant 0 : i32
    %c0_i32_1 = arith.constant 0 : i32
    return %add3A_0, %c0_i32 : i32, i32
  }
  func.func @transform_5(%arg0: i32) -> (i32, i32) {
    %add3A = arith.constant 0 : i32
    %add3A_0 = arith.addi %arg0, %add3A : i32
    %c0_i32 = arith.constant 0 : i32
    %c0_i32_1 = arith.constant 0 : i32
    return %add3A_0, %c0_i32 : i32, i32
  }
  func.func @transform_6(%arg0: i32) -> (i32, i32) {
    %add3A = arith.constant 0 : i32
    %add3A_0 = arith.addi %arg0, %add3A : i32
    %c0_i32 = arith.constant 0 : i32
    %c0_i32_1 = arith.constant 0 : i32
    return %add3A_0, %c0_i32 : i32, i32
  }
  func.func @transform_7(%arg0: i32) -> (i32, i32) {
    %add3A = arith.constant 0 : i32
    %add3A_0 = arith.addi %arg0, %add3A : i32
    %c0_i32 = arith.constant 0 : i32
    %c0_i32_1 = arith.constant 0 : i32
    return %add3A_0, %c0_i32 : i32, i32
  }
  func.func @transform_8(%arg0: i32) -> (i32, i32) {
    %add3A = arith.constant 0 : i32
    %add3A_0 = arith.addi %arg0, %add3A : i32
    %c0_i32 = arith.constant 0 : i32
    %c0_i32_1 = arith.constant 0 : i32
    return %add3A_0, %c0_i32 : i32, i32
  }
  func.func @transform_9(%arg0: i32) -> (i32, i32) {
    %c0_i32 = arith.constant 0 : i32
    %c0_i32_0 = arith.constant 0 : i32
    %c0_i32_1 = arith.constant 0 : i32
    return %c0_i32, %c0_i32_0 : i32, i32
  }
  func.func @transform_10(%arg0: i32) -> (i32, i32) {
    %c0_i32 = arith.constant 0 : i32
    %c0_i32_0 = arith.constant 0 : i32
    %c0_i32_1 = arith.constant 0 : i32
    return %c0_i32, %c0_i32_0 : i32, i32
  }
  func.func @transform_11(%arg0: i32) -> (i32, i32) {
    %c0_i32 = arith.constant 0 : i32
    %c0_i32_0 = arith.constant 0 : i32
    %c0_i32_1 = arith.constant 0 : i32
    return %c0_i32, %c0_i32_0 : i32, i32
  }
  func.func @transform_12(%arg0: i32) -> (i32, i32) {
    %c0_i32 = arith.constant 0 : i32
    %c0_i32_0 = arith.constant 0 : i32
    %c0_i32_1 = arith.constant 0 : i32
    return %c0_i32, %c0_i32_0 : i32, i32
  }
  func.func @transform_13(%arg0: i32) -> (i32, i32) {
    %c0_i32 = arith.constant 0 : i32
    %c0_i32_0 = arith.constant 0 : i32
    %c0_i32_1 = arith.constant 0 : i32
    return %c0_i32, %c0_i32_0 : i32, i32
  }
  func.func @transform_14(%arg0: i32) -> (i32, i32) {
    %c0_i32 = arith.constant 0 : i32
    %c0_i32_0 = arith.constant 0 : i32
    %c0_i32_1 = arith.constant 0 : i32
    return %c0_i32, %c0_i32_0 : i32, i32
  }
  func.func @transform_15(%arg0: i32) -> (i32, i32) {
    %c0_i32 = arith.constant 0 : i32
    %c0_i32_0 = arith.constant 0 : i32
    %c0_i32_1 = arith.constant 0 : i32
    return %c0_i32, %c0_i32_0 : i32, i32
  }
  func.func @transform_16(%arg0: i32) -> (i32, i32) {
    %c0_i32 = arith.constant 0 : i32
    %c0_i32_0 = arith.constant 0 : i32
    %c0_i32_1 = arith.constant 0 : i32
    return %c0_i32, %c0_i32_0 : i32, i32
  }
  func.func @transform_17(%arg0: i32) -> (i32, i32) {
    %c0_i32 = arith.constant 0 : i32
    %c0_i32_0 = arith.constant 0 : i32
    %c0_i32_1 = arith.constant 0 : i32
    return %c0_i32, %c0_i32_0 : i32, i32
  }
  func.func @transform_18(%arg0: i32) -> (i32, i32) {
    %c0_i32 = arith.constant 0 : i32
    %c0_i32_0 = arith.constant 0 : i32
    %c0_i32_1 = arith.constant 0 : i32
    return %c0_i32, %c0_i32_0 : i32, i32
  }
  func.func @transform_19(%arg0: i32) -> (i32, i32) {
    %c0_i32 = arith.constant 0 : i32
    %c0_i32_0 = arith.constant 0 : i32
    return %arg0, %c0_i32 : i32, i32
  }
}

</mosaic_0001>

<sc_bundles>
// kernel: kernel.6.cloned.1.call-start
scs
__scs_entry_jumppad:
0x0: {  	(pc) =	sbr.rel $0x88, $3  }
0x1: {  	(tag) =	ssettag $0x0;
	lr =	simm.s32 $0x1  }
0x2: {  	[smem:$0x3F97] =	sst lr;
	_ =	strace $0xD0000000  }
0x3: {  	_ = 	snop  }
0x4: {  	_ = 	snop  }
0x5: {  	_ = 	snop  }
0x6: {  	_ = 	snop  }
0x7: {  	_ = 	snop  }
__scs_overlays_trampoline_lowered:
0x8: {  	[smem:$0x3FA6] =	sst s0  }
0x9: {  	[smem:$0x3FA7] =	sst s1  }
0xa: {  	[smem:$0x3FA8] =	sst s2  }
0xb: {  	[smem:$0x3FA9] =	sst s3  }
0xc: {  	[smem:$0x3FAA] =	sst s4  }
0xd: {  	[smem:$0x3FAB] =	sst s5  }
0xe: {  	[smem:$0x3FAC] =	sst s6  }
0xf: {  	[smem:$0x3FAD] =	sst s7  }
0x10: {  	[smem:$0x3FAE] =	sst s8  }
0x11: {  	[smem:$0x3FAF] =	sst s9;
	s0 =	simm.s32 @!p0 $0x0  }
0x12: {  	s1 =	sld [smem:$0x3F95];
	s0 =	simm.s32 @p0 $0x1  }
0x13: {  	[smem:$0x3FB0] =	sst s0;
	s0 =	simm.s32 @!p1 $0x0  }
0x14: {  	s2 =	sld [smem:$0x3F94];
	s0 =	simm.s32 @p1 $0x1  }
0x15: {  	[smem:$0x3FB1] =	sst s0;
	s0 =	simm.s32 @!p2 $0x0  }
0x16: {  	s3 =	sld [smem:$0x3FDB];
	s0 =	simm.s32 @p2 $0x1  }
0x17: {  	s4 =	simm.s32 $0x1BF5;
	[smem:$0x3FB3] =	sst s0  }
0x18: {  	s0 =	sld [smem:$0x3F96];
	_ =	swait.ge [sflag:s4], $0x0  }
0x19: {  	s7 =	sld [smem:$0x3F97]  }
0x1a: {  	s8 =	sadd.s32 $0xFFFFE003, lr  }
0x1b: {  	s9 =	sadd.s32 $0xFFFFFEF7, lr;
	s5 =	simm.s32 $0xFFFFFFFF;
	p2 =	slt.u32 s8, $0xFFFFF086  }
0x1c: {  	p1 =	slt.u32 s9, $0xF7A;
	s5 =	simm.s32 @!p2 $0x0  }
0x1d: {  	s5 =	simm.s32 @p1 $0x1;
	p0 =	seq.s32 s7, s2  }
0x1e: {  	s7 =	smul.u32 @!p0 $0xF7A, s2;
	p2 =	seq.s32 @!p0 s5, $0x0  }
0x1f: {  	s9 =	smul.u32 $0xF7A, s1;
	s8 =	simm.s32 @!p0 $0x1BF5;
	p2 =	por !p2, p0  }
0x20: {  	[sflag:s8] =	ssyncset.s32 @!p0 $0xFFFFF086;
	s6 =	sadd.s32 @!p0 s3, s7;
	s7 =	simm.s32 @!p0 $0x108  }
0x21: {  	s3 =	sadd.s32 s3, s9;
	s6 =	sadd.s32 @!p0 $0x88, s6;
	s7 =	simm.s32 @p2 $0x1082  }
0x22: {  	[simem:s7], [sflag:s8] =	dma.local @!p0 [hbm:s6], $0xF7A  }
0x23: {  	s9 =	sor.u32 $0xD0000000, s2;
	s6 =	simm.s32 $0x108;
	_ =	swait.ge @!p0 [sflag:s8], $0x0  }
0x24: {  	s3 =	sadd.s32 $0x88, s3;
	s6 =	simm.s32 @!p1 $0x1082;
	[sflag:s4] =	ssyncset.s32 $0xFFFFF086  }
0x25: {  	[simem:s6], [sflag:s4] =	dma.local [hbm:s3], $0xF7A  }
0x26: {  	[smem:$0x3F97] =	sst s1;
	(tag) =	ssettag s2;
	_ =	strace s9  }
0x27: {  	s1 =	sld [smem:$0x3FA7]  }
0x28: {  	s2 =	sld [smem:$0x3FA8]  }
0x29: {  	s4 =	sld [smem:$0x3FAA]  }
0x2a: {  	p0 =	seq.s32 s5, $0x0;
	s5 =	sld [smem:$0x3FAB]  }
0x2b: {  	s6 =	sld [smem:$0x3FAC]  }
0x2c: {  	s7 =	sld [smem:$0x3FAD]  }
0x2d: {  	s3 =	simm.s32 $0x108;
	s8 =	sld [smem:$0x3FAE]  }
0x2e: {  	s3 =	simm.s32 @!p0 $0x1082;
	s9 =	sld [smem:$0x3FAF]  }
0x2f: {  	lr =	sadd.s32 s0, s3;
	s0 =	sld [smem:$0x3FA6]  }
0x30: {  	s3 =	sld [smem:$0x3FA9]  }
0x31: {  	[smem:$0x3FB2] =	sst s10  }
0x32: {  	s10 =	sld [smem:$0x3FB0];
	_ =	sdelay $0x3  }
0x33: {  	p0 =	seq.s32 s10, $0x1;
	s10 =	sld [smem:$0x3FB2];
	_ =	sdelay $0x3  }
0x34: {  	[smem:$0x3FB2] =	sst s10  }
0x35: {  	s10 =	sld [smem:$0x3FB1];
	_ =	sdelay $0x3  }
0x36: {  	p1 =	seq.s32 s10, $0x1;
	s10 =	sld [smem:$0x3FB2];
	_ =	sdelay $0x3  }
0x37: {  	[smem:$0x3FB2] =	sst s10  }
0x38: {  	s10 =	sld [smem:$0x3FB3]  }
0x39: {  	_ = 	snop;
	(pc) =	sbr.ind lr, $3  }
0x3a: {  	_ = 	snop  }
0x3b: {  	_ = 	snop  }
0x3c: {  	p2 =	seq.s32 s10, $0x1;
	s10 =	sld [smem:$0x3FB2]  }
0x3d: {  	_ =	shalt  }
0x3e: {  	_ =	shalt  }
0x3f: {  	_ =	shalt  }
0x40: {  	_ =	shalt  }
0x41: {  	_ =	shalt  }
0x42: {  	_ =	shalt  }
0x43: {  	_ =	shalt  }
0x44: {  	_ =	shalt  }
0x45: {  	_ =	shalt  }
0x46: {  	_ =	shalt  }
0x47: {  	_ =	shalt  }
0x48: {  	_ =	shalt  }
0x49: {  	_ =	shalt  }
0x4a: {  	_ =	shalt  }
0x4b: {  	_ =	shalt  }
0x4c: {  	_ =	shalt  }
0x4d: {  	_ =	shalt  }
0x4e: {  	_ =	shalt  }
0x4f: {  	_ =	shalt  }
0x50: {  	_ =	shalt  }
0x51: {  	_ =	shalt  }
0x52: {  	_ =	shalt  }
0x53: {  	_ =	shalt  }
0x54: {  	_ =	shalt  }
0x55: {  	_ =	shalt  }
0x56: {  	_ =	shalt  }
0x57: {  	_ =	shalt  }
0x58: {  	_ =	shalt  }
0x59: {  	_ =	shalt  }
0x5a: {  	_ =	shalt  }
0x5b: {  	_ =	shalt  }
0x5c: {  	_ =	shalt  }
0x5d: {  	_ =	shalt  }
0x5e: {  	_ =	shalt  }
0x5f: {  	_ =	shalt  }
0x60: {  	_ =	shalt  }
0x61: {  	_ =	shalt  }
0x62: {  	_ =	shalt  }
0x63: {  	_ =	shalt  }
0x64: {  	_ =	shalt  }
0x65: {  	_ =	shalt  }
0x66: {  	_ =	shalt  }
0x67: {  	_ =	shalt  }
0x68: {  	_ =	shalt  }
0x69: {  	_ =	shalt  }
0x6a: {  	_ =	shalt  }
0x6b: {  	_ =	shalt  }
0x6c: {  	_ =	shalt  }
0x6d: {  	_ =	shalt  }
0x6e: {  	_ =	shalt  }
0x6f: {  	_ =	shalt  }
0x70: {  	_ =	shalt  }
0x71: {  	_ =	shalt  }
0x72: {  	_ =	shalt  }
0x73: {  	_ =	shalt  }
0x74: {  	_ =	shalt  }
0x75: {  	_ =	shalt  }
0x76: {  	_ =	shalt  }
0x77: {  	_ =	shalt  }
0x78: {  	_ =	shalt  }
0x79: {  	_ =	shalt  }
0x7a: {  	_ =	shalt  }
0x7b: {  	_ =	shalt  }
0x7c: {  	_ =	shalt  }
0x7d: {  	_ =	shalt  }
0x7e: {  	_ =	shalt  }
0x7f: {  	_ =	shalt  }
0x80: {  	_ =	shalt  }
0x81: {  	_ =	shalt  }
0x82: {  	_ =	shalt  }
0x83: {  	_ =	shalt  }
0x84: {  	_ =	shalt  }
0x85: {  	_ =	shalt  }
0x86: {  	_ =	shalt  }
0x87: {  	_ =	shalt  }
.Lfunc_end0:
.L_simem_size_0:
called_computation_lowered:
.L_overlay_start_0:
0x88: {  	s2 =	sld [smem:$0x3FD9]  }
0x89: {  	s3 =	sld [smem:$0x3FFE];
	_ =	sdelay $0x1  }
0x8a: {  	s1 =	srdreg.scid  }
0x8b: {  	s0 =	sand.u32 $0x1, s1  }
0x8c: {  	s17 =	sshll.u32 s0, $0xA;
	s2 =	sadd.s32 s3, s2  }
0x8d: {  	s2 =	sadd.s32 s2, s17  }
0x8e: {  	[smem:$0x3FBE] =	sst s2  }
0x8f: {  	_ = 	snop  }
0x90: {  	s2 =	sld [smem:$0x3FD0];
	(tm) =	ssettm $0x1  }
0x91: {  	s18 =	sld [smem:$0x3FFB];
	_ =	sdelay $0x3  }
0x92: {  	_ =	strace s18  }
0x93: {  	s3 =	sld [smem:$0x3FFC];
	_ =	sdelay $0x3  }
0x94: {  	_ =	strace s3  }
0x95: {  	s3 =	sld [smem:$0x3FFD];
	_ =	sdelay $0x3  }
0x96: {  	_ =	strace s3  }
0x97: {  	_ =	strace $0x8FFFFFFF  }
0x98: {  	s19 =	sld [smem:$0x3FDB];
	_ =	sdelay $0x1  }
0x99: {  	s4 =	simm.s32 $_scs_section_size  }
0x9a: {  	s5 =	simm.s32 $_size__tile_overlayer_lowered;
	s6 =	simm.s32 $_tile_overlayer_lowered  }
0x9b: {  	s22 =	simm.s32 $0x1BFF;
	s21 =	sshll.u32 s6, $0x1;
	s3 =	sadd.s32 s4, s19  }
0x9c: {  	s7 =	simm.s32 $0x0;
	s20 =	sshll.u32 s5, $0x1;
	s5 =	sadd.s32 s21, s3  }
0x9d: {  	[timem:s7], [sflag:s22] =	dma.local [hbm:s5], s20  }
0x9e: {  	_ =	swait.ge [sflag:s22], s20  }
0x9f: {  	s4 =	ssub.s32 $0x0, s20;
	[sflag:s22] =	ssyncset.done $0x0  }
0xa0: {  	[sflag:s22] =	ssyncadd.s32 s4;
	_ =	sdelay $0x1  }
0xa1: {  	s23 =	simm.s32 $0x1B8B  }
0xa2: {  	_ =	swait.ge [sflag:s23], $0x1  }
0xa3: {  	[sflag:s23] =	ssyncset.done $0x0  }
0xa4: {  	s25 =	simm.s32 $0x1B8E;
	s24 =	sld [smem:$0x3FFE];
	[sflag:s23] =	ssyncadd.s32 $0xFFFFFFFF  }
0xa5: {  	s26 =	simm.s32 $execute0_lowered;
	[smem:$0x3FD2] =	sst s25  }
0xa6: {  	s5 =	sshll.u32 s26, $0x1;
	_ =	strace $0x80000046;
	[dreg:$0x1] =	wrdreg $0xFFFFFFFF  }
0xa7: {  	s28 =	simm.s32 $_size_execute0_lowered;
	s3 =	sadd.s32 s3, s5;
	[dreg:$0x0] =	wrdreg $0x0  }
0xa8: {  	s5 =	sshll.u32 s28, $0x1;
	[dreg:$0x2] =	wrdreg s3  }
0xa9: {  	[dreg:$0x3] =	wrdreg s5  }
0xaa: {  	[dreg:$0x4] =	wrdreg $0xC0  }
0xab: {  	_ =	task [dreg:s7], $0x5FFFF  }
0xac: {  	[dreg:$0x1] =	wrdreg $0xFFFFFFFF  }
0xad: {  	[dreg:$0x0] =	wrdreg $0x60  }
0xae: {  	[dreg:$0x2] =	wrdreg s2  }
0xaf: {  	[dreg:$0x3] =	wrdreg s24  }
0xb0: {  	[dreg:$0x4] =	wrdreg $0x9  }
0xb1: {  	_ =	task.clear_ibuf [dreg:s7], $0x5FFFF;
	_ =	strace $0x90000046  }
0xb2: {  	s29 =	simm.s32 $0x9;
	_ =	strace $0x80000048  }
0xb3: {  	_ =	swait.ge [sflag:s29], $0x1  }
0xb4: {  	[sflag:s29] =	ssyncadd.s32 $0xFFFFFFFF  }
0xb5: {  	_ =	strace $0x90000048  }
0xb6: {  	_ =	sfence  }
0xb7: {  	s30 =	sld [smem:$0x0];
	_ =	sdelay $0x2  }
0xb8: {  	s31 =	sshll.u32 s1, $0xD;
	s1 =	sshrl.u32 s1, $0x2  }
0xb9: {  	s3 =	sand.u32 $0x4000, s31;
	s1 =	sadd.s32 s1, s30  }
0xba: {  	s0 =	sor.u32 s3, s0;
	s1 =	sshll.u32 s1, $0x11  }
0xbb: {  	s0 =	sor.u32 s1, s0  }
0xbc: {  	s0 =	sadd.s32 $0x8F2B, s0  }
0xbd: {  	[sflag:s0] =	ssyncadd.remote.s32 $0x1  }
0xbe: {  	_ =	sfence.sel $0xFFFF  }
0xbf: {  	[dreg:$0x0] =	wrdreg $0xFFFFFFFF;
	(pc) =	sbr.abs _section_cstart, $3  }
0xc0: {  	[dreg:$0x1] =	wrdreg $0xFFFFFFFF  }
0xc1: {  	_ =	task.clear_ibuf [dreg:s7], $0x2FFFF;
	_ =	strace $0x9FFFFFFF  }
0xc2: {  	(tm) =	ssettm $0x7FFFFFFF  }
0xc3: {  	_ =	shalt  }
tec
execute0_lowered:
.L_overlay_start_1:
0x0: {  	(tag) =	ssettag $0x1  }
0x1: {  	s0 =	rddreg [dreg:$0x0]  }
0x2: {  	s5 =	rddreg [dreg:$0x1];
	s1 =	simm.s32 $0x0;
	s8 =	srdreg.scid  }
0x3: {  	s13 =	stileid.u32;
	s16 =	simm.s32 $0x7;
	s18 =	simm.s32 $0x200  }
0x4: {  	s20 =	simm.s32 $0x4000;
	s29 =	simm.s32 $0x8000;
	s21 =	simm.s32 $0xC000  }
0x5: {  	s31 =	simm.s32 $0x10000;
	s24 =	simm.s32 $0x14000;
	s17 =	simm.s32 $0x18000  }
0x6: {  	s30 =	simm.s32 $0x1;
	s15 =	simm.s32 $0x4;
	s19 =	simm.s32 $0x5  }
0x7: {  	s22 =	simm.s32 $0x6;
	[smem:$0x7FF] =	sst s1;
	s2 =	sadd.s32 $0x13000, s5  }
0x8: {  	s3 =	sadd.s32 $0x1E00, s5;
	s4 =	sadd.s32 $0x1C00, s5;
	s6 =	sadd.s32 $0xD3400, s5  }
0x9: {  	s23 =	simm.s32 $0x0;
	s7 =	sadd.s32 $0x153400, s5;
	s9 =	sadd.s32 $0x1D3400, s5  }
0xa: {  	s10 =	sadd.s32 $0x253400, s5;
	s8 =	sand.u32 $0x1, s8;
	s11 =	sadd.s32 $0x2D3400, s5  }
0xb: {  	s13 =	sshll.u32 s13, $0xF;
	s14 =	sadd.s32 $0x20000, s0;
	s26 =	ssub.s32 $0x2, s8  }
0xc: {  	_ =	strace $0x80000047;
	[dreg:$0x3] =	wrdreg s6;
	s12 =	sshrl.u32 s26, $0x1  }
0xd: {  	s6 =	sadd.s32 $0x53400, s5;
	s8 =	sshll.u32 s8, $0xE;
	s5 =	ssub.s32 s26, s12  }
0xe: {  	s12 =	sor.u32 s8, s13;
	s13 =	sadd.s32 $0x10000, s0;
	s28 =	smax.u32 s5, $0x1  }
0xf: {  	v0 =	vimm.s32 $0x0;
	s0 =	simm.s32 $0x2;
	s8 =	simm.s32 $0x3;
	[dreg:$0x4] =	wrdreg s28  }
.LBB2_1:
0x10: {  	[dreg:$0x5] =	wrdreg s23;
	s23 =	simm.s32 $0x0  }
.LBB2_2:
0x11: {  	s5 =	sshll.u32 s23, $0xB  }
0x12: {  	s25 =	sadd.s32 s12, s5  }
0x13: {  	s5 =	sshrl.u32 s25, $0x3  }
0x14: {  	s28 =	simm.s32 $0x0;
	s26 =	sadd.s32 s5, s13  }
0x15: {  	[tilespmem:s28], [sflag:$0x7] =	stream.linear.gather [hbm4b:s26+s28], $0x800, $0x38;
	[tilespmem:$0x1C000] =	vst v63  }
0x16: {  	_ =	swait.ge [sflag:s16], $0x800  }
0x17: {  	[sflag:s16] =	ssyncset.done $0x0  }
0x18: {  	s5 =	sadd.s32 s5, s14;
	s26 =	simm.s32 $0x800;
	[sflag:s16] =	ssyncadd.s32 $0xFFFFF800  }
0x19: {  	[tilespmem:s26], [sflag:$0x7] =	stream.linear.gather [hbm4b:s5+s28], $0x800, $0x38;
	[tilespmem:$0x1C000] =	vst v63  }
0x1a: {  	_ =	swait.ge [sflag:s16], $0x800  }
0x1b: {  	[sflag:s16] =	ssyncset.done $0x0  }
0x1c: {  	s26 =	simm.s32 $0x0;
	[sflag:s16] =	ssyncadd.s32 $0xFFFFF800  }
0x1d: {  	v1 =	vld [tilespmem:s26+$0x800]  }
0x1e: {  	v2 =	vld [tilespmem:s26+$0x0];
	_ =	sdelay $0x3  }
0x1f: {  	v3 =	vmul.f32 $5.120000000e+02, v1;
	v4 =	vmul.f32 $2.640000000e+02, v1  }
0x20: {  	v5 =	vmul.f32 $5.120000000e+02, v2;
	v6 =	vmul.f32 $2.640000000e+02, v2  }
0x21: {  	v2 =	vmul.f32 $1.600000000e+01, v2;
	v4 =	vtrunc.f32 v4  }
0x22: {  	v6 =	vtrunc.f32 v6;
	v4 =	vcvt.f32.s32 v4  }
0x23: {  	v1 =	vmul.f32 $1.600000000e+01, v1;
	v6 =	vcvt.f32.s32 v6  }
0x24: {  	v5 =	vtrunc.f32 v5;
	v7 =	vtrunc.f32 v3;
	v4 =	vmul.u32 $0x108, v4  }
0x25: {  	v2 =	vtrunc.f32 v2;
	v3 =	vtrunc.f32 v1;
	v8 =	vand.u32 $0x1, v6  }
0x26: {  	v1 =	vcvt.f32.s32 v5;
	vm0 =	veq.s32 v8, $0x1;
	v5 =	vadd.s32 v6, v4  }
0x27: {  	s28 =	simm.s32 $0x10;
	s5 =	simm.s32 $0x80;
	v4 =	vcvt.f32.s32 v7;
	v6 =	vsel vm0, $0x8900, v0;
	v5 =	vshra.s32 v5, $0x1  }
.LBB2_3:
0x28: {  	p0 =	sne.s32 s5, $0x1FC0;
	v7 =	vld [tilespmem:s28+$0x800];
	v5 =	vadd.s32 v6, v5;
	v2 =	vcvt.f32.s32 v2;
	v3 =	vcvt.f32.s32 v3  }
0x29: {  	v8 =	vand.u32 $0x1, v1;
	v6 =	vld [tilespmem:s28+$0x0];
	v4 =	vshll.u32 v4, $0x9;
	[tilespmem:s26+$0x2000] =	vst v5;
	v5 =	vadd.s32 $0x84, v5  }
0x2a: {  	v1 =	vadd.s32 v1, v4;
	[tilespmem:s26+$0x2800] =	vst v5;
	v3 =	vshll.u32 v3, $0x4;
	v4 =	vand.u32 $0x1, v2  }
0x2b: {  	vm0 =	veq.s32 v8, $0x1;
	v2 =	vadd.s32 v2, v3;
	vm1 =	veq.s32 v4, $0x1  }
0x2c: {  	v1 =	vshra.s32 v1, $0x1;
	v3 =	vsel vm0, $0x20200, v0;
	v2 =	vshra.s32 v2, $0x1  }
0x2d: {  	v8 =	vsel vm1, $0x90, v0;
	v4 =	vmul.f32 $5.120000000e+02, v7;
	v5 =	vmul.f32 $2.640000000e+02, v7  }
0x2e: {  	v1 =	vadd.s32 v3, v1;
	v9 =	vmul.f32 $5.120000000e+02, v6;
	v10 =	vmul.f32 $2.640000000e+02, v6  }
0x2f: {  	v2 =	vadd.s32 v8, v2;
	v3 =	vtrunc.f32 v5;
	v5 =	vmul.f32 $1.600000000e+01, v6;
	[tilespmem:s26+$0x1000] =	vst v1  }
0x30: {  	v1 =	vadd.s32 $0x100, v1;
	v6 =	vtrunc.f32 v10;
	v3 =	vcvt.f32.s32 v3;
	[tilespmem:s26+$0x3000] =	vst v2  }
.Ltmp0:
0x31: {  	v7 =	vmul.f32 $1.600000000e+01, v7;
	v6 =	vcvt.f32.s32 v6;
	[tilespmem:s26+$0x1800] =	vst v1;
	v1 =	vadd.s32 $0x8, v2;
	(pc) =	sbr.rel @p0 .LBB2_3-.Ltmp0, $4  }
0x32: {  	v4 =	vtrunc.f32 v4;
	v8 =	vtrunc.f32 v9;
	v9 =	vmul.u32 $0x108, v3;
	[tilespmem:s26+$0x3800] =	vst v1;
	s26 =	smov.u32 s28  }
0x33: {  	v2 =	vtrunc.f32 v5;
	v3 =	vtrunc.f32 v7;
	v10 =	vand.u32 $0x1, v6  }
0x34: {  	v1 =	vcvt.f32.s32 v8;
	v5 =	vadd.s32 v6, v9;
	vm0 =	veq.s32 v10, $0x1  }
0x35: {  	v4 =	vcvt.f32.s32 v4;
	s28 =	sshra.s32 s5, $0x2;
	s5 =	sadd.s32 $0x40, s5;
	v5 =	vshra.s32 v5, $0x1;
	v6 =	vsel vm0, $0x8900, v0  }
0x36: {  	v7 =	vld [tilespmem:s28+$0x800]  }
0x37: {  	v8 =	vld [tilespmem:s28+$0x0]  }
0x38: {  	v2 =	vcvt.f32.s32 v2;
	v3 =	vcvt.f32.s32 v3;
	v55 =	vand.u32 $0x1, v1  }
0x39: {  	v5 =	vadd.s32 v6, v5;
	v4 =	vshll.u32 v4, $0x9;
	vm0 =	veq.s32 v55, $0x1  }
0x3a: {  	v1 =	vadd.s32 v1, v4;
	v3 =	vshll.u32 v3, $0x4;
	v10 =	vand.u32 $0x1, v2  }
0x3b: {  	v6 =	vsel vm0, $0x20200, v0;
	v2 =	vadd.s32 v2, v3;
	vm1 =	veq.s32 v10, $0x1  }
0x3c: {  	v1 =	vshra.s32 v1, $0x1;
	v56 =	vmul.f32 $2.640000000e+02, v7;
	v3 =	vmul.f32 $2.640000000e+02, v8  }
0x3d: {  	v2 =	vshra.s32 v2, $0x1;
	v57 =	vmul.f32 $5.120000000e+02, v7;
	v58 =	vmul.f32 $5.120000000e+02, v8  }
0x3e: {  	v10 =	vsel vm1, $0x90, v0;
	v8 =	vmul.f32 $1.600000000e+01, v8;
	v7 =	vmul.f32 $1.600000000e+01, v7  }
0x3f: {  	v1 =	vadd.s32 v6, v1;
	v4 =	vtrunc.f32 v56;
	v3 =	vtrunc.f32 v3  }
0x40: {  	v2 =	vadd.s32 v10, v2;
	v10 =	vtrunc.f32 v58;
	v6 =	vtrunc.f32 v57  }
0x41: {  	v9 =	vadd.s32 $0x84, v5;
	v4 =	vcvt.f32.s32 v4;
	v6 =	vcvt.f32.s32 v6  }
0x42: {  	v59 =	vadd.s32 $0x8, v2;
	v7 =	vtrunc.f32 v7;
	v10 =	vcvt.f32.s32 v10  }
0x43: {  	[tilespmem:s26+$0x3000] =	vst v2;
	v3 =	vcvt.f32.s32 v3;
	v4 =	vmul.u32 $0x108, v4;
	v2 =	vshll.u32 v6, $0x9  }
0x44: {  	[tilespmem:s26+$0x2000] =	vst v5;
	v7 =	vcvt.f32.s32 v7;
	v61 =	vand.u32 $0x1, v10;
	v2 =	vadd.s32 v10, v2  }
0x45: {  	[tilespmem:s26+$0x2800] =	vst v9;
	vm14 =	veq.s32 v61, $0x1;
	v4 =	vadd.s32 v3, v4;
	v3 =	vand.u32 $0x1, v3  }
0x46: {  	[tilespmem:s26+$0x1000] =	vst v1;
	vm13 =	veq.s32 v3, $0x1;
	v3 =	vadd.s32 $0x100, v1;
	v1 =	vtrunc.f32 v8  }
0x47: {  	[tilespmem:s26+$0x3800] =	vst v59;
	v2 =	vshra.s32 v2, $0x1;
	v63 =	vsel vm14, $0x20200, v0;
	v1 =	vcvt.f32.s32 v1  }
0x48: {  	v4 =	vshra.s32 v4, $0x1;
	v2 =	vadd.s32 v63, v2;
	v60 =	vsel vm13, $0x8900, v0;
	[tilespmem:s26+$0x1800] =	vst v3  }
0x49: {  	v7 =	vshll.u32 v7, $0x4;
	v4 =	vadd.s32 v60, v4;
	[tilespmem:s28+$0x1000] =	vst v2;
	v62 =	vand.u32 $0x1, v1  }
0x4a: {  	v3 =	vadd.s32 $0x84, v4;
	v1 =	vadd.s32 v1, v7;
	[tilespmem:s28+$0x2000] =	vst v4;
	vm15 =	veq.s32 v62, $0x1  }
0x4b: {  	v2 =	vadd.s32 $0x100, v2;
	[tilespmem:s28+$0x2800] =	vst v3;
	v1 =	vshra.s32 v1, $0x1;
	v3 =	vsel vm15, $0x90, v0  }
0x4c: {  	[tilespmem:s28+$0x1800] =	vst v2;
	v1 =	vadd.s32 v3, v1  }
0x4d: {  	[tilespmem:s28+$0x3000] =	vst v1;
	v1 =	vadd.s32 $0x8, v1  }
0x4e: {  	s5 =	simm.s32 $0x1000;
	[tilespmem:s28+$0x3800] =	vst v1  }
0x4f: {  	[tilespmem:s20], [sflag:$0x1] =	stream.indirect.gather [hbm4b:s2+s18], $0x8, s5, s18, $0xb8;
	[tilespmem:$0x1C000] =	vst v63  }
0x50: {  	s26 =	simm.s32 $0x1200;
	s28 =	simm.s32 $0x5000  }
0x51: {  	[tilespmem:s28], [sflag:$0x1] =	stream.indirect.gather [hbm4b:s2+s18], $0x8, s26, s18, $0xb8;
	[tilespmem:$0x1C000] =	vst v63  }
0x52: {  	s26 =	simm.s32 $0x1400;
	s28 =	simm.s32 $0x6000  }
0x53: {  	[tilespmem:s28], [sflag:$0x1] =	stream.indirect.gather [hbm4b:s2+s18], $0x8, s26, s18, $0xb8;
	[tilespmem:$0x1C000] =	vst v63  }
0x54: {  	s26 =	simm.s32 $0x1600;
	s28 =	simm.s32 $0x7000  }
0x55: {  	[tilespmem:s28], [sflag:$0x1] =	stream.indirect.gather [hbm4b:s2+s18], $0x8, s26, s18, $0xb8;
	[tilespmem:$0x1C000] =	vst v63  }
0x56: {  	s28 =	simm.s32 $0x1800  }
0x57: {  	[tilespmem:s29], [sflag:$0x2] =	stream.indirect.gather [hbm4b:s2+s18], $0x8, s28, s18, $0xb8;
	[tilespmem:$0x1C000] =	vst v63  }
0x58: {  	s26 =	simm.s32 $0x1A00;
	s28 =	simm.s32 $0x9000  }
0x59: {  	[tilespmem:s28], [sflag:$0x2] =	stream.indirect.gather [hbm4b:s2+s18], $0x8, s26, s18, $0xb8;
	[tilespmem:$0x1C000] =	vst v63  }
0x5a: {  	s26 =	simm.s32 $0x1C00;
	s28 =	simm.s32 $0xA000  }
0x5b: {  	[tilespmem:s28], [sflag:$0x2] =	stream.indirect.gather [hbm4b:s2+s18], $0x8, s26, s18, $0xb8;
	[tilespmem:$0x1C000] =	vst v63  }
0x5c: {  	s26 =	simm.s32 $0x1E00;
	s28 =	simm.s32 $0xB000  }
0x5d: {  	[tilespmem:s28], [sflag:$0x2] =	stream.indirect.gather [hbm4b:s2+s18], $0x8, s26, s18, $0xb8;
	[tilespmem:$0x1C000] =	vst v63  }
0x5e: {  	s28 =	simm.s32 $0x2000  }
0x5f: {  	[tilespmem:s21], [sflag:$0x3] =	stream.indirect.gather [hbm4b:s3+s18], $0x8, s28, s18, $0xb8;
	[tilespmem:$0x1C000] =	vst v63  }
0x60: {  	s26 =	simm.s32 $0x2200;
	s28 =	simm.s32 $0xD000  }
0x61: {  	[tilespmem:s28], [sflag:$0x3] =	stream.indirect.gather [hbm4b:s3+s18], $0x8, s26, s18, $0xb8;
	[tilespmem:$0x1C000] =	vst v63  }
0x62: {  	s26 =	simm.s32 $0x2400;
	s28 =	simm.s32 $0xE000  }
0x63: {  	[tilespmem:s28], [sflag:$0x3] =	stream.indirect.gather [hbm4b:s3+s18], $0x8, s26, s18, $0xb8;
	[tilespmem:$0x1C000] =	vst v63  }
0x64: {  	s26 =	simm.s32 $0x2600;
	s28 =	simm.s32 $0xF000  }
0x65: {  	[tilespmem:s28], [sflag:$0x3] =	stream.indirect.gather [hbm4b:s3+s18], $0x8, s26, s18, $0xb8;
	[tilespmem:$0x1C000] =	vst v63  }
0x66: {  	s28 =	simm.s32 $0x2800  }
0x67: {  	[tilespmem:s31], [sflag:$0x4] =	stream.indirect.gather [hbm4b:s3+s18], $0x8, s28, s18, $0xb8;
	[tilespmem:$0x1C000] =	vst v63  }
0x68: {  	s26 =	simm.s32 $0x2A00;
	s28 =	simm.s32 $0x11000  }
0x69: {  	[tilespmem:s28], [sflag:$0x4] =	stream.indirect.gather [hbm4b:s3+s18], $0x8, s26, s18, $0xb8;
	[tilespmem:$0x1C000] =	vst v63  }
0x6a: {  	s26 =	simm.s32 $0x2C00;
	s28 =	simm.s32 $0x12000  }
0x6b: {  	[tilespmem:s28], [sflag:$0x4] =	stream.indirect.gather [hbm4b:s3+s18], $0x8, s26, s18, $0xb8;
	[tilespmem:$0x1C000] =	vst v63  }
0x6c: {  	s26 =	simm.s32 $0x2E00;
	s28 =	simm.s32 $0x13000  }
0x6d: {  	[tilespmem:s28], [sflag:$0x4] =	stream.indirect.gather [hbm4b:s3+s18], $0x8, s26, s18, $0xb8;
	[tilespmem:$0x1C000] =	vst v63  }
0x6e: {  	s28 =	simm.s32 $0x3000  }
0x6f: {  	[tilespmem:s24], [sflag:$0x5] =	stream.indirect.gather [hbm4b:s4+s18], $0x8, s28, s18, $0xb8;
	[tilespmem:$0x1C000] =	vst v63  }
0x70: {  	s26 =	simm.s32 $0x3200;
	s28 =	simm.s32 $0x15000  }
0x71: {  	[tilespmem:s28], [sflag:$0x5] =	stream.indirect.gather [hbm4b:s4+s18], $0x8, s26, s18, $0xb8;
	[tilespmem:$0x1C000] =	vst v63  }
0x72: {  	s26 =	simm.s32 $0x3400;
	s28 =	simm.s32 $0x16000  }
0x73: {  	[tilespmem:s28], [sflag:$0x5] =	stream.indirect.gather [hbm4b:s4+s18], $0x8, s26, s18, $0xb8;
	[tilespmem:$0x1C000] =	vst v63  }
0x74: {  	s26 =	simm.s32 $0x3600;
	s28 =	simm.s32 $0x17000  }
0x75: {  	[tilespmem:s28], [sflag:$0x5] =	stream.indirect.gather [hbm4b:s4+s18], $0x8, s26, s18, $0xb8;
	[tilespmem:$0x1C000] =	vst v63  }
0x76: {  	s28 =	simm.s32 $0x3800  }
0x77: {  	[tilespmem:s17], [sflag:$0x6] =	stream.indirect.gather [hbm4b:s4+s18], $0x8, s28, s18, $0xb8;
	[tilespmem:$0x1C000] =	vst v63  }
0x78: {  	s26 =	simm.s32 $0x3A00;
	s28 =	simm.s32 $0x19000  }
0x79: {  	[tilespmem:s28], [sflag:$0x6] =	stream.indirect.gather [hbm4b:s4+s18], $0x8, s26, s18, $0xb8;
	[tilespmem:$0x1C000] =	vst v63  }
0x7a: {  	s26 =	simm.s32 $0x3C00;
	s28 =	simm.s32 $0x1A000  }
0x7b: {  	[tilespmem:s28], [sflag:$0x6] =	stream.indirect.gather [hbm4b:s4+s18], $0x8, s26, s18, $0xb8;
	[tilespmem:$0x1C000] =	vst v63  }
0x7c: {  	s26 =	simm.s32 $0x3E00;
	s28 =	simm.s32 $0x1B000  }
0x7d: {  	[tilespmem:s28], [sflag:$0x6] =	stream.indirect.gather [hbm4b:s4+s18], $0x8, s26, s18, $0xb8;
	[tilespmem:$0x1C000] =	vst v63  }
0x7e: {  	_ =	swait.ge [sflag:s30], $0x1000  }
0x7f: {  	[sflag:s30] =	ssyncset.done $0x0  }
0x80: {  	[sflag:s30] =	ssyncadd.s32 $0xFFFFF000  }
0x81: {  	_ =	swait.ge [sflag:s30], $0x1000  }
0x82: {  	[sflag:s30] =	ssyncset.done $0x0  }
0x83: {  	[sflag:s30] =	ssyncadd.s32 $0xFFFFF000  }
0x84: {  	_ =	swait.ge [sflag:s30], $0x1000  }
0x85: {  	[sflag:s30] =	ssyncset.done $0x0  }
0x86: {  	[sflag:s30] =	ssyncadd.s32 $0xFFFFF000  }
0x87: {  	_ =	swait.ge [sflag:s30], $0x1000  }
0x88: {  	[sflag:s30] =	ssyncset.done $0x0;
	s26 =	rddreg [dreg:$0x3]  }
0x89: {  	[sflag:s30] =	ssyncadd.s32 $0xFFFFF000;
	s5 =	sadd.s32 s26, s25  }
0x8a: {  	[hbm4b:s5+s1] =	stream.linear.scatter [tilespmem:s20], [sflag:$0x7], $0x4000, $0x38;
	[tilespmem:$0x1C000] =	vst v63  }
0x8b: {  	_ =	swait.ge [sflag:s16], $0x4000  }
0x8c: {  	[sflag:s16] =	ssyncset.done $0x0  }
0x8d: {  	[sflag:s16] =	ssyncadd.s32 $0xFFFFC000  }
0x8e: {  	_ =	swait.ge [sflag:s0], $0x1000  }
0x8f: {  	[sflag:s0] =	ssyncset.done $0x0  }
0x90: {  	[sflag:s0] =	ssyncadd.s32 $0xFFFFF000  }
0x91: {  	_ =	swait.ge [sflag:s0], $0x1000  }
0x92: {  	[sflag:s0] =	ssyncset.done $0x0  }
0x93: {  	[sflag:s0] =	ssyncadd.s32 $0xFFFFF000  }
0x94: {  	_ =	swait.ge [sflag:s0], $0x1000  }
0x95: {  	[sflag:s0] =	ssyncset.done $0x0  }
0x96: {  	[sflag:s0] =	ssyncadd.s32 $0xFFFFF000  }
0x97: {  	_ =	swait.ge [sflag:s0], $0x1000  }
0x98: {  	[sflag:s0] =	ssyncset.done $0x0  }
0x99: {  	s28 =	sadd.s32 s6, s25;
	[sflag:s0] =	ssyncadd.s32 $0xFFFFF000  }
0x9a: {  	[hbm4b:s28+s1] =	stream.linear.scatter [tilespmem:s29], [sflag:$0x7], $0x4000, $0x38;
	[tilespmem:$0x1C000] =	vst v63  }
0x9b: {  	_ =	swait.ge [sflag:s16], $0x4000  }
0x9c: {  	[sflag:s16] =	ssyncset.done $0x0  }
0x9d: {  	[sflag:s16] =	ssyncadd.s32 $0xFFFFC000  }
0x9e: {  	_ =	swait.ge [sflag:s8], $0x1000  }
0x9f: {  	[sflag:s8] =	ssyncset.done $0x0  }
0xa0: {  	[sflag:s8] =	ssyncadd.s32 $0xFFFFF000  }
0xa1: {  	_ =	swait.ge [sflag:s8], $0x1000  }
0xa2: {  	[sflag:s8] =	ssyncset.done $0x0  }
0xa3: {  	[sflag:s8] =	ssyncadd.s32 $0xFFFFF000  }
0xa4: {  	_ =	swait.ge [sflag:s8], $0x1000  }
0xa5: {  	[sflag:s8] =	ssyncset.done $0x0  }
0xa6: {  	[sflag:s8] =	ssyncadd.s32 $0xFFFFF000  }
0xa7: {  	_ =	swait.ge [sflag:s8], $0x1000  }
0xa8: {  	[sflag:s8] =	ssyncset.done $0x0  }
0xa9: {  	s26 =	sadd.s32 s7, s25;
	[sflag:s8] =	ssyncadd.s32 $0xFFFFF000  }
0xaa: {  	[hbm4b:s26+s1] =	stream.linear.scatter [tilespmem:s21], [sflag:$0x7], $0x4000, $0x38;
	[tilespmem:$0x1C000] =	vst v63  }
0xab: {  	_ =	swait.ge [sflag:s16], $0x4000  }
0xac: {  	[sflag:s16] =	ssyncset.done $0x0  }
0xad: {  	[sflag:s16] =	ssyncadd.s32 $0xFFFFC000  }
0xae: {  	_ =	swait.ge [sflag:s15], $0x1000  }
0xaf: {  	[sflag:s15] =	ssyncset.done $0x0  }
0xb0: {  	[sflag:s15] =	ssyncadd.s32 $0xFFFFF000  }
0xb1: {  	_ =	swait.ge [sflag:s15], $0x1000  }
0xb2: {  	[sflag:s15] =	ssyncset.done $0x0  }
0xb3: {  	[sflag:s15] =	ssyncadd.s32 $0xFFFFF000  }
0xb4: {  	_ =	swait.ge [sflag:s15], $0x1000  }
0xb5: {  	[sflag:s15] =	ssyncset.done $0x0  }
0xb6: {  	[sflag:s15] =	ssyncadd.s32 $0xFFFFF000  }
0xb7: {  	_ =	swait.ge [sflag:s15], $0x1000  }
0xb8: {  	[sflag:s15] =	ssyncset.done $0x0  }
0xb9: {  	s28 =	sadd.s32 s9, s25;
	[sflag:s15] =	ssyncadd.s32 $0xFFFFF000  }
0xba: {  	[hbm4b:s28+s1] =	stream.linear.scatter [tilespmem:s31], [sflag:$0x7], $0x4000, $0x38;
	[tilespmem:$0x1C000] =	vst v63  }
0xbb: {  	_ =	swait.ge [sflag:s16], $0x4000  }
0xbc: {  	[sflag:s16] =	ssyncset.done $0x0  }
0xbd: {  	[sflag:s16] =	ssyncadd.s32 $0xFFFFC000  }
0xbe: {  	_ =	swait.ge [sflag:s19], $0x1000  }
0xbf: {  	[sflag:s19] =	ssyncset.done $0x0  }
0xc0: {  	[sflag:s19] =	ssyncadd.s32 $0xFFFFF000  }
0xc1: {  	_ =	swait.ge [sflag:s19], $0x1000  }
0xc2: {  	[sflag:s19] =	ssyncset.done $0x0  }
0xc3: {  	[sflag:s19] =	ssyncadd.s32 $0xFFFFF000  }
0xc4: {  	_ =	swait.ge [sflag:s19], $0x1000  }
0xc5: {  	[sflag:s19] =	ssyncset.done $0x0  }
0xc6: {  	[sflag:s19] =	ssyncadd.s32 $0xFFFFF000  }
0xc7: {  	_ =	swait.ge [sflag:s19], $0x1000  }
0xc8: {  	[sflag:s19] =	ssyncset.done $0x0  }
0xc9: {  	s26 =	sadd.s32 s10, s25;
	[sflag:s19] =	ssyncadd.s32 $0xFFFFF000  }
0xca: {  	[hbm4b:s26+s1] =	stream.linear.scatter [tilespmem:s24], [sflag:$0x7], $0x4000, $0x38;
	[tilespmem:$0x1C000] =	vst v63  }
0xcb: {  	_ =	swait.ge [sflag:s16], $0x4000  }
0xcc: {  	[sflag:s16] =	ssyncset.done $0x0  }
0xcd: {  	[sflag:s16] =	ssyncadd.s32 $0xFFFFC000  }
0xce: {  	_ =	swait.ge [sflag:s22], $0x1000  }
0xcf: {  	[sflag:s22] =	ssyncset.done $0x0  }
0xd0: {  	[sflag:s22] =	ssyncadd.s32 $0xFFFFF000  }
0xd1: {  	_ =	swait.ge [sflag:s22], $0x1000  }
0xd2: {  	[sflag:s22] =	ssyncset.done $0x0  }
0xd3: {  	[sflag:s22] =	ssyncadd.s32 $0xFFFFF000  }
0xd4: {  	_ =	swait.ge [sflag:s22], $0x1000  }
0xd5: {  	[sflag:s22] =	ssyncset.done $0x0  }
0xd6: {  	[sflag:s22] =	ssyncadd.s32 $0xFFFFF000  }
0xd7: {  	s23 =	sadd.s32 $0x1, s23;
	_ =	swait.ge [sflag:s22], $0x1000  }
0xd8: {  	p0 =	sne.s32 s23, $0x8;
	[sflag:s22] =	ssyncset.done $0x0  }
.Ltmp1:
0xd9: {  	s28 =	sadd.s32 s11, s25;
	[sflag:s22] =	ssyncadd.s32 $0xFFFFF000;
	(pc) =	sbr.rel @p0 .LBB2_2-.Ltmp1, $4  }
0xda: {  	[hbm4b:s28+s1] =	stream.linear.scatter [tilespmem:s17], [sflag:$0x7], $0x4000, $0x38;
	[tilespmem:$0x1C000] =	vst v63  }
0xdb: {  	_ =	swait.ge [sflag:s16], $0x4000  }
0xdc: {  	[sflag:s16] =	ssyncset.done $0x0  }
0xdd: {  	[sflag:s16] =	ssyncadd.s32 $0xFFFFC000  }
0xde: {  	s23 =	rddreg [dreg:$0x5]  }
0xdf: {  	s5 =	rddreg [dreg:$0x4];
	s23 =	sadd.s32 $0x1, s23  }
0xe0: {  	p0 =	sne.s32 s23, s5  }
.Ltmp2:
0xe1: {  	_ = 	snop;
	(pc) =	sbr.rel @p0 .LBB2_1-.Ltmp2, $1  }
0xe2: {  	_ =	sdelay $0x3  }
0xe3: {  	_ =	sfence.sel $0x180000  }
0xe4: {  	[bflag:$0x0] =	sbarrier.arrive $0xFFFF  }
0xe5: {  	_ =	strace $0x90000047  }
0xe6: {  	s0 =	stileid.u32;
	[bflag:$0x2] =	sbarrier.arrive $0xFFFF  }
0xe7: {  	p0 =	sne.s32 s0, $0x0;
	s0 =	rddreg [dreg:$0x2]  }
0xe8: {  	s0 =	sadd.s32 @!p0 $0x100000, s0  }
0xe9: {  	[sflag:s0] =	ssyncadd.tile.s32 @!p0 $0x1;
	_ =	shalt  }
.Lfunc_end2:
_tile_overlayer_lowered:
.L_overlay_start_2:
0xea: {  	(tag) =	ssettag $0x2  }
0xeb: {  	s0 =	rddreg [dreg:$0x0];
	s2 =	stileid.u32  }
0xec: {  	s1 =	rddreg [dreg:$0x1];
	p0 =	sne.s32 s2, $0x0  }
0xed: {  	s3 =	rddreg [dreg:$0x2];
	[bflag:$0x3] =	sbarrier.arrive $0xFFFF;
	s2 =	simm.s32 @!p0 $0x1C07  }
0xee: {  	[timem:s3], [sflag:s2] =	dma.local @!p0 [hbm:s0], s1  }
0xef: {  	s0 =	simm.s32 @!p0 $0x7  }
0xf0: {  	_ =	swait.ge @!p0 [sflag:s0], s1  }
0xf1: {  	s1 =	ssub.s32 @!p0 $0x0, s1;
	[sflag:s0] =	ssyncset.done @!p0 $0x0  }
0xf2: {  	[sflag:s0] =	ssyncadd.s32 @!p0 s1  }
0xf3: {  	[bflag:$0x3] =	sbarrier.arrive $0xFFFF  }
0xf4: {  	_ =	shalt  }

</sc_bundles>
